<compile_context>
chip_gen: v7x
topology: tpu7x:2x2x1
jax: 0.10.2.dev20260603
libtpu: 0.0.44.dev20260713+nightly
codegen_flags: <defaults>
</compile_context>

<pallas_src>
import functools

import jax
import jax.numpy as jnp
from jax import lax
from jax.experimental import pallas as pl
from jax.experimental.pallas import tpu as pltpu
from jax.experimental.pallas import tpu_sc as plsc
from jax.experimental import layout as _jl

NC, NS, LANES = 2, 16, 16
NW = NC * NS
B, S, E = 1024, 200, 64
SEQ_W = B // NW
IDX_SPLIT = ((0, 104), (104, 96))
SEQ_CH = 2
NCHUNK = SEQ_W // SEQ_CH

_mesh = plsc.VectorSubcoreMesh(core_axis_name="c", subcore_axis_name="s")


@functools.partial(
    pl.kernel,
    out_type=jax.ShapeDtypeStruct((B, S, E), jnp.float32),
    mesh=_mesh,
    scratch_types=[
        pltpu.VMEM((SEQ_W, S), jnp.int32),
        pltpu.VMEM((SEQ_W, S), jnp.int32),
        pltpu.VMEM((SEQ_W, S), jnp.int32),
        pltpu.VMEM((2, SEQ_CH, S, E), jnp.float32),
        pltpu.VMEM_SHARED((S * 3, E), jnp.float32),
        pltpu.SemaphoreType.DMA,
        pltpu.SemaphoreType.DMA,
        pltpu.SemaphoreType.DMA,
    ],
    compiler_params=pltpu.CompilerParams(use_tc_tiling_on_sc=False),
)
def _sc_embed(seq_hbm, seg_hbm, tok_hbm, comb_hbm, out_hbm,
              tok_idx_v, seg_raw_v, cmb_idx_v, rows_v, comb_sp,
              sem_g1, sem_g2, sem_out):
    cid = lax.axis_index("c")
    sid = lax.axis_index("s")
    wid = sid * NC + cid
    b0 = wid * SEQ_W

    @pl.when(sid == 0)
    def _():
        pltpu.sync_copy(comb_hbm, comb_sp)

    pltpu.sync_copy(seq_hbm.at[pl.ds(b0, SEQ_W)], tok_idx_v)
    pltpu.sync_copy(seg_hbm.at[pl.ds(b0, SEQ_W)], seg_raw_v)
    plsc.subcore_barrier()

    lane = lax.iota(jnp.int32, LANES)
    col0 = [j * LANES for j in range(S // LANES)] + [S - LANES]

    def idx_body(r, _):
        for j0 in col0:
            pos3 = (lane + j0) * 3
            cmb_idx_v[r, pl.ds(j0, LANES)] = pos3 + seg_raw_v[r, pl.ds(j0, LANES)]
        return 0

    lax.fori_loop(0, SEQ_W, idx_body, 0)

    def fire_g1(c, p):
        s0 = c * SEQ_CH
        for s in range(SEQ_CH):
            for off, w in IDX_SPLIT:
                pltpu.async_copy(
                    comb_sp.at[cmb_idx_v.at[s0 + s, pl.ds(off, w)]],
                    rows_v.at[p, s, pl.ds(off, w)], sem_g1)

    def drain(sem):
        pltpu.make_async_copy(out_hbm.at[pl.ds(0, SEQ_CH)], rows_v.at[0], sem).wait()

    fire_g1(0, 0)

    def chunk_body(c, _):
        p = lax.rem(c, 2)
        s0 = c * SEQ_CH
        drain(sem_g1)
        for s in range(SEQ_CH):
            for off, w in IDX_SPLIT:
                pltpu.async_copy(
                    tok_hbm.at[tok_idx_v.at[s0 + s, pl.ds(off, w)]],
                    rows_v.at[p, s, pl.ds(off, w)], sem_g2, add=True)

        @pl.when(c >= 1)
        def _():
            drain(sem_out)

        @pl.when(c <= NCHUNK - 2)
        def _():
            fire_g1(c + 1, 1 - p)

        drain(sem_g2)
        pltpu.async_copy(rows_v.at[p], out_hbm.at[pl.ds(b0 + s0, SEQ_CH)], sem_out)
        return 0

    lax.fori_loop(0, NCHUNK, chunk_body, 0)
    drain(sem_out)


@jax.jit
def kernel(sequence, segment_label, token_table, segment_table, pe):
    comb = (pe[:, None, :] + segment_table[None, :, :]).reshape(S * 3, E)
    out = _sc_embed(sequence.astype(jnp.int32), segment_label.astype(jnp.int32),
                    token_table, comb)
    return _jl.with_layout_constraint(
        out, _jl.Layout(major_to_minor=(0, 1, 2), tiling=((8,),)))

# --- scband reference (transcript-rebuilt; emitter-appended) ---
"""Pipeline reference for scband-bertembedding-62526133895262 (READ-ONLY COPY).

The authoritative reference and input builder live on the scoring server;
editing this copy changes nothing except your own understanding.
"""

import jax, jax.numpy as jnp
import numpy as np
import math

VOCAB = 1000000
EMBED = 64
SEQ_LEN = 200
BATCH = 1024


def _positional_encoding(max_len, d_model):
    # Matches the standard BERT sin/cos PositionalEmbedding buffer.
    position = np.arange(0, max_len, dtype=np.float64)[:, None]
    div_term = np.exp(np.arange(0, d_model, 2, dtype=np.float64) * -(math.log(10000.0) / d_model))
    pe = np.zeros((max_len, d_model), dtype=np.float64)
    pe[:, 0::2] = np.sin(position * div_term)
    pe[:, 1::2] = np.cos(position * div_term)
    return jnp.asarray(pe, dtype=jnp.float32)


def setup_inputs(seed: int = 0) -> dict:
    key = jax.random.key(seed)
    k1, k2, k3, k4 = jax.random.split(key, 4)
    sequence = jax.random.randint(k1, (BATCH, SEQ_LEN), 0, VOCAB, dtype=jnp.int64 if jax.config.jax_enable_x64 else jnp.int32)
    segment_label = jax.random.randint(k2, (BATCH, SEQ_LEN), 0, 3, dtype=jnp.int64 if jax.config.jax_enable_x64 else jnp.int32)
    token_table = jax.random.normal(k3, (VOCAB, EMBED), dtype=jnp.float32) * 0.02
    token_table = token_table.at[0].set(0.0)  # padding_idx=0
    segment_table = jax.random.normal(k4, (3, EMBED), dtype=jnp.float32) * 0.02
    segment_table = segment_table.at[0].set(0.0)  # padding_idx=0
    pe = _positional_encoding(SEQ_LEN, EMBED)
    return {"sequence": sequence, "segment_label": segment_label,
            "token_table": token_table, "segment_table": segment_table, "pe": pe}


def reference(sequence, segment_label, token_table, segment_table, pe):
    # token embedding (gather) + fixed sin/cos positional + segment embedding (gather)
    tok = jnp.take(token_table, sequence, axis=0)            # [B, S, E]
    pos = pe[None, :sequence.shape[1], :]                    # [1, S, E] broadcast
    seg = jnp.take(segment_table, segment_label, axis=0)     # [B, S, E]
    x = tok + pos + seg
    # dropout: identity in eval/inference mode (deterministic reference)
    return x

if __name__ == "__main__":
    import jax
    _d = setup_inputs()
    print(jax.jit(kernel)(*tuple(_d.values())))

</pallas_src>

<mosaic_0001>
#map = affine_map<(d0, d1) -> (0, 0)>
#map1 = affine_map<(d0, d1) -> (0, 0, 0)>
module attributes {stable_mosaic.version = 14 : i64} {
  func.func @_sc_embed(%arg0: i32, %arg1: i32, %arg2: memref<1024x200xi32, #tpu.memory_space<hbm>>, %arg3: memref<1024x200xi32, #tpu.memory_space<hbm>>, %arg4: memref<1000000x64xf32, #tpu.memory_space<hbm>>, %arg5: memref<600x64xf32, #tpu.memory_space<hbm>>, %arg6: memref<1024x200x64xf32, #tpu.memory_space<hbm>>, %arg7: memref<32x200xi32, #tpu.memory_space<vmem>>, %arg8: memref<32x200xi32, #tpu.memory_space<vmem>>, %arg9: memref<32x200xi32, #tpu.memory_space<vmem>>, %arg10: memref<2x2x200x64xf32, #tpu.memory_space<vmem>>, %arg11: memref<600x64xf32, #tpu.memory_space<vmem_shared>>, %arg12: memref<!tpu.dma_semaphore, #tpu.memory_space<semaphore_mem>>, %arg13: memref<!tpu.dma_semaphore, #tpu.memory_space<semaphore_mem>>, %arg14: memref<!tpu.dma_semaphore, #tpu.memory_space<semaphore_mem>>) attributes {dimension_semantics = [#tpu.dimension_semantics<core_parallel>, #tpu.dimension_semantics<subcore_parallel>], iteration_bounds = array<i64: 2, 16>, scalar_prefetch = 0 : i64, scratch_operands = 8 : i64, tpu.core_type = #tpu.core_type<sc_vector_subcore>, window_params = [{transform_indices = #map}, {transform_indices = #map}, {transform_indices = #map}, {transform_indices = #map}, {transform_indices = #map1}]} {
    %mul3A = arith.constant 2 : i32
    %mul3A_0 = arith.muli %arg1, %mul3A : i32
    %add3A = arith.addi %mul3A_0, %arg0 : i32
    %mul3A_1 = arith.constant 32 : i32
    %mul3A_2 = arith.muli %add3A, %mul3A_1 : i32
    %eq3A = arith.constant 0 : i32
    %eq3A_3 = arith.cmpi eq, %arg1, %eq3A : i32
    %convert_element_type3A = arith.extui %eq3A_3 : i1 to i32
    %cond3A = arith.constant 0 : i32
    %cond3A_4 = arith.cmpi ne, %convert_element_type3A, %cond3A : i32
    scf.if %cond3A_4 {
      "tpu.region"() ({
        %run_scoped3A = tpu.sem_alloc : memref<!tpu.dma_semaphore, #tpu.memory_space<semaphore_mem>>
        tpu.enqueue_dma source(%arg5 : memref<600x64xf32, #tpu.memory_space<hbm>>) target(%arg11 : memref<600x64xf32, #tpu.memory_space<vmem_shared>>) target_semaphore(%run_scoped3A : memref<!tpu.dma_semaphore, #tpu.memory_space<semaphore_mem>>)
        tpu.wait_dma2 semaphore(%run_scoped3A : memref<!tpu.dma_semaphore, #tpu.memory_space<semaphore_mem>>) src(%arg5 : memref<600x64xf32, #tpu.memory_space<hbm>>) dst(%arg11 : memref<600x64xf32, #tpu.memory_space<vmem_shared>>)
        tpu.yield
      }) : () -> ()
    } else {
    }
    "tpu.region"() ({
      %run_scoped3A = tpu.sem_alloc : memref<!tpu.dma_semaphore, #tpu.memory_space<semaphore_mem>>
      %dma_start3A_87 = arith.constant 0 : i32
      %dma_start3A_88 = tpu.memref_slice %arg2[%mul3A_2, %dma_start3A_87] : memref<1024x200xi32, #tpu.memory_space<hbm>> -> memref<32x200xi32, #tpu.memory_space<hbm>>
      %dma_start3A_89 = arith.constant 0 : i32
      %dma_start3A_90 = tpu.memref_slice %arg2[%mul3A_2, %dma_start3A_89] : memref<1024x200xi32, #tpu.memory_space<hbm>> -> memref<32x200xi32, #tpu.memory_space<hbm>>
      tpu.enqueue_dma source(%dma_start3A_90 : memref<32x200xi32, #tpu.memory_space<hbm>>) target(%arg7 : memref<32x200xi32, #tpu.memory_space<vmem>>) target_semaphore(%run_scoped3A : memref<!tpu.dma_semaphore, #tpu.memory_space<semaphore_mem>>)
      %dma_wait3A_91 = arith.constant 0 : i32
      %dma_wait3A_92 = tpu.memref_slice %arg2[%mul3A_2, %dma_wait3A_91] : memref<1024x200xi32, #tpu.memory_space<hbm>> -> memref<32x200xi32, #tpu.memory_space<hbm>>
      %dma_wait3A_93 = arith.constant 0 : i32
      %dma_wait3A_94 = tpu.memref_slice %arg2[%mul3A_2, %dma_wait3A_93] : memref<1024x200xi32, #tpu.memory_space<hbm>> -> memref<32x200xi32, #tpu.memory_space<hbm>>
      tpu.wait_dma2 semaphore(%run_scoped3A : memref<!tpu.dma_semaphore, #tpu.memory_space<semaphore_mem>>) src(%dma_wait3A_94 : memref<32x200xi32, #tpu.memory_space<hbm>>) dst(%arg7 : memref<32x200xi32, #tpu.memory_space<vmem>>)
      tpu.yield
    }) : () -> ()
    "tpu.region"() ({
      %run_scoped3A = tpu.sem_alloc : memref<!tpu.dma_semaphore, #tpu.memory_space<semaphore_mem>>
      %dma_start3A_87 = arith.constant 0 : i32
      %dma_start3A_88 = tpu.memref_slice %arg3[%mul3A_2, %dma_start3A_87] : memref<1024x200xi32, #tpu.memory_space<hbm>> -> memref<32x200xi32, #tpu.memory_space<hbm>>
      %dma_start3A_89 = arith.constant 0 : i32
      %dma_start3A_90 = tpu.memref_slice %arg3[%mul3A_2, %dma_start3A_89] : memref<1024x200xi32, #tpu.memory_space<hbm>> -> memref<32x200xi32, #tpu.memory_space<hbm>>
      tpu.enqueue_dma source(%dma_start3A_90 : memref<32x200xi32, #tpu.memory_space<hbm>>) target(%arg8 : memref<32x200xi32, #tpu.memory_space<vmem>>) target_semaphore(%run_scoped3A : memref<!tpu.dma_semaphore, #tpu.memory_space<semaphore_mem>>)
      %dma_wait3A_91 = arith.constant 0 : i32
      %dma_wait3A_92 = tpu.memref_slice %arg3[%mul3A_2, %dma_wait3A_91] : memref<1024x200xi32, #tpu.memory_space<hbm>> -> memref<32x200xi32, #tpu.memory_space<hbm>>
      %dma_wait3A_93 = arith.constant 0 : i32
      %dma_wait3A_94 = tpu.memref_slice %arg3[%mul3A_2, %dma_wait3A_93] : memref<1024x200xi32, #tpu.memory_space<hbm>> -> memref<32x200xi32, #tpu.memory_space<hbm>>
      tpu.wait_dma2 semaphore(%run_scoped3A : memref<!tpu.dma_semaphore, #tpu.memory_space<semaphore_mem>>) src(%dma_wait3A_94 : memref<32x200xi32, #tpu.memory_space<hbm>>) dst(%arg8 : memref<32x200xi32, #tpu.memory_space<vmem>>)
      tpu.yield
    }) : () -> ()
    %barrier3A = arith.constant 0 : index
    tpu.barrier barrier_id(%barrier3A)
    %iota3A = tpu.iota {dimensions = array<i32: 0>} : vector<16xi32>
    %scan3A = arith.constant 0 : i32
    %scan3A_5 = arith.constant 0 : i32
    %scan3A_6 = arith.constant 32 : i32
    %scan3A_7 = arith.addi %scan3A_5, %scan3A_6 : i32
    %scan3A_8 = arith.constant 1 : i32
    %scan3A_9 = scf.for %scan3A_87 = %scan3A_5 to %scan3A_7 step %scan3A_8 iter_args(%scan3A_88 = %scan3A) -> (i32)  : i32 {
      %add3A_89 = arith.constant 0 : i32
      %add3A_90 = vector.broadcast %add3A_89 : i32 to vector<16xi32>
      %add3A_91 = arith.addi %iota3A, %add3A_90 : vector<16xi32>
      %mul3A_92 = arith.constant 3 : i32
      %mul3A_93 = vector.broadcast %mul3A_92 : i32 to vector<16xi32>
      %mul3A_94 = arith.muli %add3A_91, %mul3A_93 : vector<16xi32>
      %get3A = arith.index_cast %scan3A_87 : i32 to index
      %get3A_95 = arith.constant 0 : index
      %get3A_96 = tpu.vector_load %arg8[%get3A, %get3A_95] {strides = array<i32>} : memref<32x200xi32, #tpu.memory_space<vmem>>, vector<1x16xi32>,
      %get3A_97 = vector.shape_cast %get3A_96 : vector<1x16xi32> to vector<16xi32>
      %add3A_98 = arith.addi %mul3A_94, %get3A_97 : vector<16xi32>
      %swap3A = arith.index_cast %scan3A_87 : i32 to index
      %swap3A_99 = arith.constant 0 : index
      %swap3A_100 = tpu.vector_load %arg9[%swap3A, %swap3A_99] {strides = array<i32>} : memref<32x200xi32, #tpu.memory_space<vmem>>, vector<1x16xi32>,
      %swap3A_101 = vector.shape_cast %swap3A_100 : vector<1x16xi32> to vector<16xi32>
      %swap3A_102 = vector.shape_cast %add3A_98 : vector<16xi32> to vector<1x16xi32>
      tpu.vector_store %arg9[%swap3A, %swap3A_99], %swap3A_102 {strides = array<i32>} : memref<32x200xi32, #tpu.memory_space<vmem>>, vector<1x16xi32>,
      %add3A_103 = arith.constant 16 : i32
      %add3A_104 = vector.broadcast %add3A_103 : i32 to vector<16xi32>
      %add3A_105 = arith.addi %iota3A, %add3A_104 : vector<16xi32>
      %mul3A_106 = arith.constant 3 : i32
      %mul3A_107 = vector.broadcast %mul3A_106 : i32 to vector<16xi32>
      %mul3A_108 = arith.muli %add3A_105, %mul3A_107 : vector<16xi32>
      %get3A_109 = arith.index_cast %scan3A_87 : i32 to index
      %get3A_110 = arith.constant 16 : index
      %get3A_111 = tpu.vector_load %arg8[%get3A_109, %get3A_110] {strides = array<i32>} : memref<32x200xi32, #tpu.memory_space<vmem>>, vector<1x16xi32>,
      %get3A_112 = vector.shape_cast %get3A_111 : vector<1x16xi32> to vector<16xi32>
      %add3A_113 = arith.addi %mul3A_108, %get3A_112 : vector<16xi32>
      %swap3A_114 = arith.index_cast %scan3A_87 : i32 to index
      %swap3A_115 = arith.constant 16 : index
      %swap3A_116 = tpu.vector_load %arg9[%swap3A_114, %swap3A_115] {strides = array<i32>} : memref<32x200xi32, #tpu.memory_space<vmem>>, vector<1x16xi32>,
      %swap3A_117 = vector.shape_cast %swap3A_116 : vector<1x16xi32> to vector<16xi32>
      %swap3A_118 = vector.shape_cast %add3A_113 : vector<16xi32> to vector<1x16xi32>
      tpu.vector_store %arg9[%swap3A_114, %swap3A_115], %swap3A_118 {strides = array<i32>} : memref<32x200xi32, #tpu.memory_space<vmem>>, vector<1x16xi32>,
      %add3A_119 = arith.constant 32 : i32
      %add3A_120 = vector.broadcast %add3A_119 : i32 to vector<16xi32>
      %add3A_121 = arith.addi %iota3A, %add3A_120 : vector<16xi32>
      %mul3A_122 = arith.constant 3 : i32
      %mul3A_123 = vector.broadcast %mul3A_122 : i32 to vector<16xi32>
      %mul3A_124 = arith.muli %add3A_121, %mul3A_123 : vector<16xi32>
      %get3A_125 = arith.index_cast %scan3A_87 : i32 to index
      %get3A_126 = arith.constant 32 : index
      %get3A_127 = tpu.vector_load %arg8[%get3A_125, %get3A_126] {strides = array<i32>} : memref<32x200xi32, #tpu.memory_space<vmem>>, vector<1x16xi32>,
      %get3A_128 = vector.shape_cast %get3A_127 : vector<1x16xi32> to vector<16xi32>
      %add3A_129 = arith.addi %mul3A_124, %get3A_128 : vector<16xi32>
      %swap3A_130 = arith.index_cast %scan3A_87 : i32 to index
      %swap3A_131 = arith.constant 32 : index
      %swap3A_132 = tpu.vector_load %arg9[%swap3A_130, %swap3A_131] {strides = array<i32>} : memref<32x200xi32, #tpu.memory_space<vmem>>, vector<1x16xi32>,
      %swap3A_133 = vector.shape_cast %swap3A_132 : vector<1x16xi32> to vector<16xi32>
      %swap3A_134 = vector.shape_cast %add3A_129 : vector<16xi32> to vector<1x16xi32>
      tpu.vector_store %arg9[%swap3A_130, %swap3A_131], %swap3A_134 {strides = array<i32>} : memref<32x200xi32, #tpu.memory_space<vmem>>, vector<1x16xi32>,
      %add3A_135 = arith.constant 48 : i32
      %add3A_136 = vector.broadcast %add3A_135 : i32 to vector<16xi32>
      %add3A_137 = arith.addi %iota3A, %add3A_136 : vector<16xi32>
      %mul3A_138 = arith.constant 3 : i32
      %mul3A_139 = vector.broadcast %mul3A_138 : i32 to vector<16xi32>
      %mul3A_140 = arith.muli %add3A_137, %mul3A_139 : vector<16xi32>
      %get3A_141 = arith.index_cast %scan3A_87 : i32 to index
      %get3A_142 = arith.constant 48 : index
      %get3A_143 = tpu.vector_load %arg8[%get3A_141, %get3A_142] {strides = array<i32>} : memref<32x200xi32, #tpu.memory_space<vmem>>, vector<1x16xi32>,
      %get3A_144 = vector.shape_cast %get3A_143 : vector<1x16xi32> to vector<16xi32>
      %add3A_145 = arith.addi %mul3A_140, %get3A_144 : vector<16xi32>
      %swap3A_146 = arith.index_cast %scan3A_87 : i32 to index
      %swap3A_147 = arith.constant 48 : index
      %swap3A_148 = tpu.vector_load %arg9[%swap3A_146, %swap3A_147] {strides = array<i32>} : memref<32x200xi32, #tpu.memory_space<vmem>>, vector<1x16xi32>,
      %swap3A_149 = vector.shape_cast %swap3A_148 : vector<1x16xi32> to vector<16xi32>
      %swap3A_150 = vector.shape_cast %add3A_145 : vector<16xi32> to vector<1x16xi32>
      tpu.vector_store %arg9[%swap3A_146, %swap3A_147], %swap3A_150 {strides = array<i32>} : memref<32x200xi32, #tpu.memory_space<vmem>>, vector<1x16xi32>,
      %add3A_151 = arith.constant 64 : i32
      %add3A_152 = vector.broadcast %add3A_151 : i32 to vector<16xi32>
      %add3A_153 = arith.addi %iota3A, %add3A_152 : vector<16xi32>
      %mul3A_154 = arith.constant 3 : i32
      %mul3A_155 = vector.broadcast %mul3A_154 : i32 to vector<16xi32>
      %mul3A_156 = arith.muli %add3A_153, %mul3A_155 : vector<16xi32>
      %get3A_157 = arith.index_cast %scan3A_87 : i32 to index
      %get3A_158 = arith.constant 64 : index
      %get3A_159 = tpu.vector_load %arg8[%get3A_157, %get3A_158] {strides = array<i32>} : memref<32x200xi32, #tpu.memory_space<vmem>>, vector<1x16xi32>,
      %get3A_160 = vector.shape_cast %get3A_159 : vector<1x16xi32> to vector<16xi32>
      %add3A_161 = arith.addi %mul3A_156, %get3A_160 : vector<16xi32>
      %swap3A_162 = arith.index_cast %scan3A_87 : i32 to index
      %swap3A_163 = arith.constant 64 : index
      %swap3A_164 = tpu.vector_load %arg9[%swap3A_162, %swap3A_163] {strides = array<i32>} : memref<32x200xi32, #tpu.memory_space<vmem>>, vector<1x16xi32>,
      %swap3A_165 = vector.shape_cast %swap3A_164 : vector<1x16xi32> to vector<16xi32>
      %swap3A_166 = vector.shape_cast %add3A_161 : vector<16xi32> to vector<1x16xi32>
      tpu.vector_store %arg9[%swap3A_162, %swap3A_163], %swap3A_166 {strides = array<i32>} : memref<32x200xi32, #tpu.memory_space<vmem>>, vector<1x16xi32>,
      %add3A_167 = arith.constant 80 : i32
      %add3A_168 = vector.broadcast %add3A_167 : i32 to vector<16xi32>
      %add3A_169 = arith.addi %iota3A, %add3A_168 : vector<16xi32>
      %mul3A_170 = arith.constant 3 : i32
      %mul3A_171 = vector.broadcast %mul3A_170 : i32 to vector<16xi32>
      %mul3A_172 = arith.muli %add3A_169, %mul3A_171 : vector<16xi32>
      %get3A_173 = arith.index_cast %scan3A_87 : i32 to index
      %get3A_174 = arith.constant 80 : index
      %get3A_175 = tpu.vector_load %arg8[%get3A_173, %get3A_174] {strides = array<i32>} : memref<32x200xi32, #tpu.memory_space<vmem>>, vector<1x16xi32>,
      %get3A_176 = vector.shape_cast %get3A_175 : vector<1x16xi32> to vector<16xi32>
      %add3A_177 = arith.addi %mul3A_172, %get3A_176 : vector<16xi32>
      %swap3A_178 = arith.index_cast %scan3A_87 : i32 to index
      %swap3A_179 = arith.constant 80 : index
      %swap3A_180 = tpu.vector_load %arg9[%swap3A_178, %swap3A_179] {strides = array<i32>} : memref<32x200xi32, #tpu.memory_space<vmem>>, vector<1x16xi32>,
      %swap3A_181 = vector.shape_cast %swap3A_180 : vector<1x16xi32> to vector<16xi32>
      %swap3A_182 = vector.shape_cast %add3A_177 : vector<16xi32> to vector<1x16xi32>
      tpu.vector_store %arg9[%swap3A_178, %swap3A_179], %swap3A_182 {strides = array<i32>} : memref<32x200xi32, #tpu.memory_space<vmem>>, vector<1x16xi32>,
      %add3A_183 = arith.constant 96 : i32
      %add3A_184 = vector.broadcast %add3A_183 : i32 to vector<16xi32>
      %add3A_185 = arith.addi %iota3A, %add3A_184 : vector<16xi32>
      %mul3A_186 = arith.constant 3 : i32
      %mul3A_187 = vector.broadcast %mul3A_186 : i32 to vector<16xi32>
      %mul3A_188 = arith.muli %add3A_185, %mul3A_187 : vector<16xi32>
      %get3A_189 = arith.index_cast %scan3A_87 : i32 to index
      %get3A_190 = arith.constant 96 : index
      %get3A_191 = tpu.vector_load %arg8[%get3A_189, %get3A_190] {strides = array<i32>} : memref<32x200xi32, #tpu.memory_space<vmem>>, vector<1x16xi32>,
      %get3A_192 = vector.shape_cast %get3A_191 : vector<1x16xi32> to vector<16xi32>
      %add3A_193 = arith.addi %mul3A_188, %get3A_192 : vector<16xi32>
      %swap3A_194 = arith.index_cast %scan3A_87 : i32 to index
      %swap3A_195 = arith.constant 96 : index
      %swap3A_196 = tpu.vector_load %arg9[%swap3A_194, %swap3A_195] {strides = array<i32>} : memref<32x200xi32, #tpu.memory_space<vmem>>, vector<1x16xi32>,
      %swap3A_197 = vector.shape_cast %swap3A_196 : vector<1x16xi32> to vector<16xi32>
      %swap3A_198 = vector.shape_cast %add3A_193 : vector<16xi32> to vector<1x16xi32>
      tpu.vector_store %arg9[%swap3A_194, %swap3A_195], %swap3A_198 {strides = array<i32>} : memref<32x200xi32, #tpu.memory_space<vmem>>, vector<1x16xi32>,
      %add3A_199 = arith.constant 112 : i32
      %add3A_200 = vector.broadcast %add3A_199 : i32 to vector<16xi32>
      %add3A_201 = arith.addi %iota3A, %add3A_200 : vector<16xi32>
      %mul3A_202 = arith.constant 3 : i32
      %mul3A_203 = vector.broadcast %mul3A_202 : i32 to vector<16xi32>
      %mul3A_204 = arith.muli %add3A_201, %mul3A_203 : vector<16xi32>
      %get3A_205 = arith.index_cast %scan3A_87 : i32 to index
      %get3A_206 = arith.constant 112 : index
      %get3A_207 = tpu.vector_load %arg8[%get3A_205, %get3A_206] {strides = array<i32>} : memref<32x200xi32, #tpu.memory_space<vmem>>, vector<1x16xi32>,
      %get3A_208 = vector.shape_cast %get3A_207 : vector<1x16xi32> to vector<16xi32>
      %add3A_209 = arith.addi %mul3A_204, %get3A_208 : vector<16xi32>
      %swap3A_210 = arith.index_cast %scan3A_87 : i32 to index
      %swap3A_211 = arith.constant 112 : index
      %swap3A_212 = tpu.vector_load %arg9[%swap3A_210, %swap3A_211] {strides = array<i32>} : memref<32x200xi32, #tpu.memory_space<vmem>>, vector<1x16xi32>,
      %swap3A_213 = vector.shape_cast %swap3A_212 : vector<1x16xi32> to vector<16xi32>
      %swap3A_214 = vector.shape_cast %add3A_209 : vector<16xi32> to vector<1x16xi32>
      tpu.vector_store %arg9[%swap3A_210, %swap3A_211], %swap3A_214 {strides = array<i32>} : memref<32x200xi32, #tpu.memory_space<vmem>>, vector<1x16xi32>,
      %add3A_215 = arith.constant 128 : i32
      %add3A_216 = vector.broadcast %add3A_215 : i32 to vector<16xi32>
      %add3A_217 = arith.addi %iota3A, %add3A_216 : vector<16xi32>
      %mul3A_218 = arith.constant 3 : i32
      %mul3A_219 = vector.broadcast %mul3A_218 : i32 to vector<16xi32>
      %mul3A_220 = arith.muli %add3A_217, %mul3A_219 : vector<16xi32>
      %get3A_221 = arith.index_cast %scan3A_87 : i32 to index
      %get3A_222 = arith.constant 128 : index
      %get3A_223 = tpu.vector_load %arg8[%get3A_221, %get3A_222] {strides = array<i32>} : memref<32x200xi32, #tpu.memory_space<vmem>>, vector<1x16xi32>,
      %get3A_224 = vector.shape_cast %get3A_223 : vector<1x16xi32> to vector<16xi32>
      %add3A_225 = arith.addi %mul3A_220, %get3A_224 : vector<16xi32>
      %swap3A_226 = arith.index_cast %scan3A_87 : i32 to index
      %swap3A_227 = arith.constant 128 : index
      %swap3A_228 = tpu.vector_load %arg9[%swap3A_226, %swap3A_227] {strides = array<i32>} : memref<32x200xi32, #tpu.memory_space<vmem>>, vector<1x16xi32>,
      %swap3A_229 = vector.shape_cast %swap3A_228 : vector<1x16xi32> to vector<16xi32>
      %swap3A_230 = vector.shape_cast %add3A_225 : vector<16xi32> to vector<1x16xi32>
      tpu.vector_store %arg9[%swap3A_226, %swap3A_227], %swap3A_230 {strides = array<i32>} : memref<32x200xi32, #tpu.memory_space<vmem>>, vector<1x16xi32>,
      %add3A_231 = arith.constant 144 : i32
      %add3A_232 = vector.broadcast %add3A_231 : i32 to vector<16xi32>
      %add3A_233 = arith.addi %iota3A, %add3A_232 : vector<16xi32>
      %mul3A_234 = arith.constant 3 : i32
      %mul3A_235 = vector.broadcast %mul3A_234 : i32 to vector<16xi32>
      %mul3A_236 = arith.muli %add3A_233, %mul3A_235 : vector<16xi32>
      %get3A_237 = arith.index_cast %scan3A_87 : i32 to index
      %get3A_238 = arith.constant 144 : index
      %get3A_239 = tpu.vector_load %arg8[%get3A_237, %get3A_238] {strides = array<i32>} : memref<32x200xi32, #tpu.memory_space<vmem>>, vector<1x16xi32>,
      %get3A_240 = vector.shape_cast %get3A_239 : vector<1x16xi32> to vector<16xi32>
      %add3A_241 = arith.addi %mul3A_236, %get3A_240 : vector<16xi32>
      %swap3A_242 = arith.index_cast %scan3A_87 : i32 to index
      %swap3A_243 = arith.constant 144 : index
      %swap3A_244 = tpu.vector_load %arg9[%swap3A_242, %swap3A_243] {strides = array<i32>} : memref<32x200xi32, #tpu.memory_space<vmem>>, vector<1x16xi32>,
      %swap3A_245 = vector.shape_cast %swap3A_244 : vector<1x16xi32> to vector<16xi32>
      %swap3A_246 = vector.shape_cast %add3A_241 : vector<16xi32> to vector<1x16xi32>
      tpu.vector_store %arg9[%swap3A_242, %swap3A_243], %swap3A_246 {strides = array<i32>} : memref<32x200xi32, #tpu.memory_space<vmem>>, vector<1x16xi32>,
      %add3A_247 = arith.constant 160 : i32
      %add3A_248 = vector.broadcast %add3A_247 : i32 to vector<16xi32>
      %add3A_249 = arith.addi %iota3A, %add3A_248 : vector<16xi32>
      %mul3A_250 = arith.constant 3 : i32
      %mul3A_251 = vector.broadcast %mul3A_250 : i32 to vector<16xi32>
      %mul3A_252 = arith.muli %add3A_249, %mul3A_251 : vector<16xi32>
      %get3A_253 = arith.index_cast %scan3A_87 : i32 to index
      %get3A_254 = arith.constant 160 : index
      %get3A_255 = tpu.vector_load %arg8[%get3A_253, %get3A_254] {strides = array<i32>} : memref<32x200xi32, #tpu.memory_space<vmem>>, vector<1x16xi32>,
      %get3A_256 = vector.shape_cast %get3A_255 : vector<1x16xi32> to vector<16xi32>
      %add3A_257 = arith.addi %mul3A_252, %get3A_256 : vector<16xi32>
      %swap3A_258 = arith.index_cast %scan3A_87 : i32 to index
      %swap3A_259 = arith.constant 160 : index
      %swap3A_260 = tpu.vector_load %arg9[%swap3A_258, %swap3A_259] {strides = array<i32>} : memref<32x200xi32, #tpu.memory_space<vmem>>, vector<1x16xi32>,
      %swap3A_261 = vector.shape_cast %swap3A_260 : vector<1x16xi32> to vector<16xi32>
      %swap3A_262 = vector.shape_cast %add3A_257 : vector<16xi32> to vector<1x16xi32>
      tpu.vector_store %arg9[%swap3A_258, %swap3A_259], %swap3A_262 {strides = array<i32>} : memref<32x200xi32, #tpu.memory_space<vmem>>, vector<1x16xi32>,
      %add3A_263 = arith.constant 176 : i32
      %add3A_264 = vector.broadcast %add3A_263 : i32 to vector<16xi32>
      %add3A_265 = arith.addi %iota3A, %add3A_264 : vector<16xi32>
      %mul3A_266 = arith.constant 3 : i32
      %mul3A_267 = vector.broadcast %mul3A_266 : i32 to vector<16xi32>
      %mul3A_268 = arith.muli %add3A_265, %mul3A_267 : vector<16xi32>
      %get3A_269 = arith.index_cast %scan3A_87 : i32 to index
      %get3A_270 = arith.constant 176 : index
      %get3A_271 = tpu.vector_load %arg8[%get3A_269, %get3A_270] {strides = array<i32>} : memref<32x200xi32, #tpu.memory_space<vmem>>, vector<1x16xi32>,
      %get3A_272 = vector.shape_cast %get3A_271 : vector<1x16xi32> to vector<16xi32>
      %add3A_273 = arith.addi %mul3A_268, %get3A_272 : vector<16xi32>
      %swap3A_274 = arith.index_cast %scan3A_87 : i32 to index
      %swap3A_275 = arith.constant 176 : index
      %swap3A_276 = tpu.vector_load %arg9[%swap3A_274, %swap3A_275] {strides = array<i32>} : memref<32x200xi32, #tpu.memory_space<vmem>>, vector<1x16xi32>,
      %swap3A_277 = vector.shape_cast %swap3A_276 : vector<1x16xi32> to vector<16xi32>
      %swap3A_278 = vector.shape_cast %add3A_273 : vector<16xi32> to vector<1x16xi32>
      tpu.vector_store %arg9[%swap3A_274, %swap3A_275], %swap3A_278 {strides = array<i32>} : memref<32x200xi32, #tpu.memory_space<vmem>>, vector<1x16xi32>,
      %add3A_279 = arith.constant 184 : i32
      %add3A_280 = vector.broadcast %add3A_279 : i32 to vector<16xi32>
      %add3A_281 = arith.addi %iota3A, %add3A_280 : vector<16xi32>
      %mul3A_282 = arith.constant 3 : i32
      %mul3A_283 = vector.broadcast %mul3A_282 : i32 to vector<16xi32>
      %mul3A_284 = arith.muli %add3A_281, %mul3A_283 : vector<16xi32>
      %get3A_285 = arith.index_cast %scan3A_87 : i32 to index
      %get3A_286 = arith.constant 184 : index
      %get3A_287 = tpu.vector_load %arg8[%get3A_285, %get3A_286] {strides = array<i32>} : memref<32x200xi32, #tpu.memory_space<vmem>>, vector<1x16xi32>,
      %get3A_288 = vector.shape_cast %get3A_287 : vector<1x16xi32> to vector<16xi32>
      %add3A_289 = arith.addi %mul3A_284, %get3A_288 : vector<16xi32>
      %swap3A_290 = arith.index_cast %scan3A_87 : i32 to index
      %swap3A_291 = arith.constant 184 : index
      %swap3A_292 = tpu.vector_load %arg9[%swap3A_290, %swap3A_291] {strides = array<i32>} : memref<32x200xi32, #tpu.memory_space<vmem>>, vector<1x16xi32>,
      %swap3A_293 = vector.shape_cast %swap3A_292 : vector<1x16xi32> to vector<16xi32>
      %swap3A_294 = vector.shape_cast %add3A_289 : vector<16xi32> to vector<1x16xi32>
      tpu.vector_store %arg9[%swap3A_290, %swap3A_291], %swap3A_294 {strides = array<i32>} : memref<32x200xi32, #tpu.memory_space<vmem>>, vector<1x16xi32>,
      %scan3A_295 = arith.constant 0 : i32
      scf.yield %scan3A_295 : i32
    }
    %scan3A_10 = arith.constant 32 : i32
    %dma_start3A = arith.constant 0 : i32
    %dma_start3A_11 = arith.constant 0 : i32
    %dma_start3A_12 = arith.constant 0 : i32
    %dma_start3A_13 = arith.constant 0 : i32
    %dma_start3A_14 = arith.constant 0 : i32
    %dma_start3A_15 = tpu.memref_slice %arg10[%dma_start3A_11, %dma_start3A_12, %dma_start3A_13, %dma_start3A_14] : memref<2x2x200x64xf32, #tpu.memory_space<vmem>> -> memref<1x1x104x64xf32, #tpu.memory_space<vmem>>
    %dma_start3A_16 = tpu.memref_squeeze %dma_start3A_15 : memref<1x1x104x64xf32, #tpu.memory_space<vmem>> -> memref<104x64xf32, #tpu.memory_space<vmem>>
    %dma_start3A_17 = arith.constant 0 : i32
    %dma_start3A_18 = tpu.memref_slice %arg9[%dma_start3A, %dma_start3A_17] : memref<32x200xi32, #tpu.memory_space<vmem>> -> memref<1x104xi32, #tpu.memory_space<vmem>>
    %dma_start3A_19 = tpu.memref_squeeze %dma_start3A_18 : memref<1x104xi32, #tpu.memory_space<vmem>> -> memref<104xi32, #tpu.memory_space<vmem>>
    %dma_start3A_20 = arith.constant 0 : i32
    %dma_start3A_21 = arith.constant 0 : i32
    %dma_start3A_22 = tpu.memref_slice %arg11[%dma_start3A_20, %dma_start3A_21] : memref<600x64xf32, #tpu.memory_space<vmem_shared>> -> memref<600x64xf32, #tpu.memory_space<vmem_shared>>
    tpu.enqueue_indirect_dma source(%dma_start3A_22 : memref<600x64xf32, #tpu.memory_space<vmem_shared>>) target(%dma_start3A_16 : memref<104x64xf32, #tpu.memory_space<vmem>>) offsets(%dma_start3A_19 : memref<104xi32, #tpu.memory_space<vmem>>) semaphore(%arg12 : memref<!tpu.dma_semaphore, #tpu.memory_space<semaphore_mem>>)
    %dma_start3A_23 = arith.constant 0 : i32
    %dma_start3A_24 = arith.constant 0 : i32
    %dma_start3A_25 = arith.constant 0 : i32
    %dma_start3A_26 = arith.constant 104 : i32
    %dma_start3A_27 = arith.constant 0 : i32
    %dma_start3A_28 = tpu.memref_slice %arg10[%dma_start3A_24, %dma_start3A_25, %dma_start3A_26, %dma_start3A_27] : memref<2x2x200x64xf32, #tpu.memory_space<vmem>> -> memref<1x1x96x64xf32, #tpu.memory_space<vmem>>
    %dma_start3A_29 = tpu.memref_squeeze %dma_start3A_28 : memref<1x1x96x64xf32, #tpu.memory_space<vmem>> -> memref<96x64xf32, #tpu.memory_space<vmem>>
    %dma_start3A_30 = arith.constant 104 : i32
    %dma_start3A_31 = tpu.memref_slice %arg9[%dma_start3A_23, %dma_start3A_30] : memref<32x200xi32, #tpu.memory_space<vmem>> -> memref<1x96xi32, #tpu.memory_space<vmem>>
    %dma_start3A_32 = tpu.memref_squeeze %dma_start3A_31 : memref<1x96xi32, #tpu.memory_space<vmem>> -> memref<96xi32, #tpu.memory_space<vmem>>
    %dma_start3A_33 = arith.constant 0 : i32
    %dma_start3A_34 = arith.constant 0 : i32
    %dma_start3A_35 = tpu.memref_slice %arg11[%dma_start3A_33, %dma_start3A_34] : memref<600x64xf32, #tpu.memory_space<vmem_shared>> -> memref<600x64xf32, #tpu.memory_space<vmem_shared>>
    tpu.enqueue_indirect_dma source(%dma_start3A_35 : memref<600x64xf32, #tpu.memory_space<vmem_shared>>) target(%dma_start3A_29 : memref<96x64xf32, #tpu.memory_space<vmem>>) offsets(%dma_start3A_32 : memref<96xi32, #tpu.memory_space<vmem>>) semaphore(%arg12 : memref<!tpu.dma_semaphore, #tpu.memory_space<semaphore_mem>>)
    %dma_start3A_36 = arith.constant 1 : i32
    %dma_start3A_37 = arith.constant 0 : i32
    %dma_start3A_38 = arith.constant 1 : i32
    %dma_start3A_39 = arith.constant 0 : i32
    %dma_start3A_40 = arith.constant 0 : i32
    %dma_start3A_41 = tpu.memref_slice %arg10[%dma_start3A_37, %dma_start3A_38, %dma_start3A_39, %dma_start3A_40] : memref<2x2x200x64xf32, #tpu.memory_space<vmem>> -> memref<1x1x104x64xf32, #tpu.memory_space<vmem>>
    %dma_start3A_42 = tpu.memref_squeeze %dma_start3A_41 : memref<1x1x104x64xf32, #tpu.memory_space<vmem>> -> memref<104x64xf32, #tpu.memory_space<vmem>>
    %dma_start3A_43 = arith.constant 0 : i32
    %dma_start3A_44 = tpu.memref_slice %arg9[%dma_start3A_36, %dma_start3A_43] : memref<32x200xi32, #tpu.memory_space<vmem>> -> memref<1x104xi32, #tpu.memory_space<vmem>>
    %dma_start3A_45 = tpu.memref_squeeze %dma_start3A_44 : memref<1x104xi32, #tpu.memory_space<vmem>> -> memref<104xi32, #tpu.memory_space<vmem>>
    %dma_start3A_46 = arith.constant 0 : i32
    %dma_start3A_47 = arith.constant 0 : i32
    %dma_start3A_48 = tpu.memref_slice %arg11[%dma_start3A_46, %dma_start3A_47] : memref<600x64xf32, #tpu.memory_space<vmem_shared>> -> memref<600x64xf32, #tpu.memory_space<vmem_shared>>
    tpu.enqueue_indirect_dma source(%dma_start3A_48 : memref<600x64xf32, #tpu.memory_space<vmem_shared>>) target(%dma_start3A_42 : memref<104x64xf32, #tpu.memory_space<vmem>>) offsets(%dma_start3A_45 : memref<104xi32, #tpu.memory_space<vmem>>) semaphore(%arg12 : memref<!tpu.dma_semaphore, #tpu.memory_space<semaphore_mem>>)
    %dma_start3A_49 = arith.constant 1 : i32
    %dma_start3A_50 = arith.constant 0 : i32
    %dma_start3A_51 = arith.constant 1 : i32
    %dma_start3A_52 = arith.constant 104 : i32
    %dma_start3A_53 = arith.constant 0 : i32
    %dma_start3A_54 = tpu.memref_slice %arg10[%dma_start3A_50, %dma_start3A_51, %dma_start3A_52, %dma_start3A_53] : memref<2x2x200x64xf32, #tpu.memory_space<vmem>> -> memref<1x1x96x64xf32, #tpu.memory_space<vmem>>
    %dma_start3A_55 = tpu.memref_squeeze %dma_start3A_54 : memref<1x1x96x64xf32, #tpu.memory_space<vmem>> -> memref<96x64xf32, #tpu.memory_space<vmem>>
    %dma_start3A_56 = arith.constant 104 : i32
    %dma_start3A_57 = tpu.memref_slice %arg9[%dma_start3A_49, %dma_start3A_56] : memref<32x200xi32, #tpu.memory_space<vmem>> -> memref<1x96xi32, #tpu.memory_space<vmem>>
    %dma_start3A_58 = tpu.memref_squeeze %dma_start3A_57 : memref<1x96xi32, #tpu.memory_space<vmem>> -> memref<96xi32, #tpu.memory_space<vmem>>
    %dma_start3A_59 = arith.constant 0 : i32
    %dma_start3A_60 = arith.constant 0 : i32
    %dma_start3A_61 = tpu.memref_slice %arg11[%dma_start3A_59, %dma_start3A_60] : memref<600x64xf32, #tpu.memory_space<vmem_shared>> -> memref<600x64xf32, #tpu.memory_space<vmem_shared>>
    tpu.enqueue_indirect_dma source(%dma_start3A_61 : memref<600x64xf32, #tpu.memory_space<vmem_shared>>) target(%dma_start3A_55 : memref<96x64xf32, #tpu.memory_space<vmem>>) offsets(%dma_start3A_58 : memref<96xi32, #tpu.memory_space<vmem>>) semaphore(%arg12 : memref<!tpu.dma_semaphore, #tpu.memory_space<semaphore_mem>>)
    %scan3A_62 = arith.constant 0 : i32
    %scan3A_63 = arith.constant 0 : i32
    %scan3A_64 = arith.constant 16 : i32
    %scan3A_65 = arith.addi %scan3A_63, %scan3A_64 : i32
    %scan3A_66 = arith.constant 1 : i32
    %scan3A_67 = scf.for %scan3A_87 = %scan3A_63 to %scan3A_65 step %scan3A_66 iter_args(%scan3A_88 = %scan3A_62) -> (i32)  : i32 {
      %rem3A = arith.constant 2 : i32
      %rem3A_89 = arith.remsi %scan3A_87, %rem3A : i32
      %mul3A_90 = arith.constant 2 : i32
      %mul3A_91 = arith.muli %scan3A_87, %mul3A_90 : i32
      %dma_wait3A_92 = arith.constant 0 : i32
      %dma_wait3A_93 = arith.constant 0 : i32
      %dma_wait3A_94 = arith.constant 0 : i32
      %dma_wait3A_95 = arith.constant 0 : i32
      %dma_wait3A_96 = tpu.memref_slice %arg10[%dma_wait3A_92, %dma_wait3A_93, %dma_wait3A_94, %dma_wait3A_95] : memref<2x2x200x64xf32, #tpu.memory_space<vmem>> -> memref<1x2x200x64xf32, #tpu.memory_space<vmem>>
      %dma_wait3A_97 = tpu.memref_squeeze %dma_wait3A_96 : memref<1x2x200x64xf32, #tpu.memory_space<vmem>> -> memref<2x200x64xf32, #tpu.memory_space<vmem>>
      %dma_wait3A_98 = arith.constant 0 : i32
      %dma_wait3A_99 = arith.constant 0 : i32
      %dma_wait3A_100 = arith.constant 0 : i32
      %dma_wait3A_101 = tpu.memref_slice %arg6[%dma_wait3A_98, %dma_wait3A_99, %dma_wait3A_100] : memref<1024x200x64xf32, #tpu.memory_space<hbm>> -> memref<2x200x64xf32, #tpu.memory_space<hbm>>
      %dma_wait3A_102 = arith.constant 0 : i32
      %dma_wait3A_103 = arith.constant 0 : i32
      %dma_wait3A_104 = arith.constant 0 : i32
      %dma_wait3A_105 = tpu.memref_slice %arg10[%dma_wait3A_92, %dma_wait3A_102, %dma_wait3A_103, %dma_wait3A_104] : memref<2x2x200x64xf32, #tpu.memory_space<vmem>> -> memref<1x2x200x64xf32, #tpu.memory_space<vmem>>
      %dma_wait3A_106 = tpu.memref_squeeze %dma_wait3A_105 : memref<1x2x200x64xf32, #tpu.memory_space<vmem>> -> memref<2x200x64xf32, #tpu.memory_space<vmem>>
      %dma_wait3A_107 = arith.constant 0 : i32
      %dma_wait3A_108 = arith.constant 0 : i32
      %dma_wait3A_109 = arith.constant 0 : i32
      %dma_wait3A_110 = tpu.memref_slice %arg6[%dma_wait3A_107, %dma_wait3A_108, %dma_wait3A_109] : memref<1024x200x64xf32, #tpu.memory_space<hbm>> -> memref<2x200x64xf32, #tpu.memory_space<hbm>>
      tpu.wait_dma2 semaphore(%arg12 : memref<!tpu.dma_semaphore, #tpu.memory_space<semaphore_mem>>) src(%dma_wait3A_110 : memref<2x200x64xf32, #tpu.memory_space<hbm>>) dst(%dma_wait3A_106 : memref<2x200x64xf32, #tpu.memory_space<vmem>>)
      %add3A_111 = arith.constant 0 : i32
      %add3A_112 = arith.addi %mul3A_91, %add3A_111 : i32
      %dma_start3A_113 = arith.constant 0 : i32
      %dma_start3A_114 = arith.constant 0 : i32
      %dma_start3A_115 = arith.constant 0 : i32
      %dma_start3A_116 = tpu.memref_slice %arg10[%rem3A_89, %dma_start3A_113, %dma_start3A_114, %dma_start3A_115] : memref<2x2x200x64xf32, #tpu.memory_space<vmem>> -> memref<1x1x104x64xf32, #tpu.memory_space<vmem>>
      %dma_start3A_117 = tpu.memref_squeeze %dma_start3A_116 : memref<1x1x104x64xf32, #tpu.memory_space<vmem>> -> memref<104x64xf32, #tpu.memory_space<vmem>>
      %dma_start3A_118 = arith.constant 0 : i32
      %dma_start3A_119 = tpu.memref_slice %arg7[%add3A_112, %dma_start3A_118] : memref<32x200xi32, #tpu.memory_space<vmem>> -> memref<1x104xi32, #tpu.memory_space<vmem>>
      %dma_start3A_120 = tpu.memref_squeeze %dma_start3A_119 : memref<1x104xi32, #tpu.memory_space<vmem>> -> memref<104xi32, #tpu.memory_space<vmem>>
      %dma_start3A_121 = arith.constant 0 : i32
      %dma_start3A_122 = arith.constant 0 : i32
      %dma_start3A_123 = tpu.memref_slice %arg4[%dma_start3A_121, %dma_start3A_122] : memref<1000000x64xf32, #tpu.memory_space<hbm>> -> memref<1000000x64xf32, #tpu.memory_space<hbm>>
      tpu.enqueue_indirect_dma source(%dma_start3A_123 : memref<1000000x64xf32, #tpu.memory_space<hbm>>) target(%dma_start3A_117 : memref<104x64xf32, #tpu.memory_space<vmem>>) offsets(%dma_start3A_120 : memref<104xi32, #tpu.memory_space<vmem>>) semaphore(%arg13 : memref<!tpu.dma_semaphore, #tpu.memory_space<semaphore_mem>>) {add = true}
      %add3A_124 = arith.constant 0 : i32
      %add3A_125 = arith.addi %mul3A_91, %add3A_124 : i32
      %dma_start3A_126 = arith.constant 0 : i32
      %dma_start3A_127 = arith.constant 104 : i32
      %dma_start3A_128 = arith.constant 0 : i32
      %dma_start3A_129 = tpu.memref_slice %arg10[%rem3A_89, %dma_start3A_126, %dma_start3A_127, %dma_start3A_128] : memref<2x2x200x64xf32, #tpu.memory_space<vmem>> -> memref<1x1x96x64xf32, #tpu.memory_space<vmem>>
      %dma_start3A_130 = tpu.memref_squeeze %dma_start3A_129 : memref<1x1x96x64xf32, #tpu.memory_space<vmem>> -> memref<96x64xf32, #tpu.memory_space<vmem>>
      %dma_start3A_131 = arith.constant 104 : i32
      %dma_start3A_132 = tpu.memref_slice %arg7[%add3A_125, %dma_start3A_131] : memref<32x200xi32, #tpu.memory_space<vmem>> -> memref<1x96xi32, #tpu.memory_space<vmem>>
      %dma_start3A_133 = tpu.memref_squeeze %dma_start3A_132 : memref<1x96xi32, #tpu.memory_space<vmem>> -> memref<96xi32, #tpu.memory_space<vmem>>
      %dma_start3A_134 = arith.constant 0 : i32
      %dma_start3A_135 = arith.constant 0 : i32
      %dma_start3A_136 = tpu.memref_slice %arg4[%dma_start3A_134, %dma_start3A_135] : memref<1000000x64xf32, #tpu.memory_space<hbm>> -> memref<1000000x64xf32, #tpu.memory_space<hbm>>
      tpu.enqueue_indirect_dma source(%dma_start3A_136 : memref<1000000x64xf32, #tpu.memory_space<hbm>>) target(%dma_start3A_130 : memref<96x64xf32, #tpu.memory_space<vmem>>) offsets(%dma_start3A_133 : memref<96xi32, #tpu.memory_space<vmem>>) semaphore(%arg13 : memref<!tpu.dma_semaphore, #tpu.memory_space<semaphore_mem>>) {add = true}
      %add3A_137 = arith.constant 1 : i32
      %add3A_138 = arith.addi %mul3A_91, %add3A_137 : i32
      %dma_start3A_139 = arith.constant 1 : i32
      %dma_start3A_140 = arith.constant 0 : i32
      %dma_start3A_141 = arith.constant 0 : i32
      %dma_start3A_142 = tpu.memref_slice %arg10[%rem3A_89, %dma_start3A_139, %dma_start3A_140, %dma_start3A_141] : memref<2x2x200x64xf32, #tpu.memory_space<vmem>> -> memref<1x1x104x64xf32, #tpu.memory_space<vmem>>
      %dma_start3A_143 = tpu.memref_squeeze %dma_start3A_142 : memref<1x1x104x64xf32, #tpu.memory_space<vmem>> -> memref<104x64xf32, #tpu.memory_space<vmem>>
      %dma_start3A_144 = arith.constant 0 : i32
      %dma_start3A_145 = tpu.memref_slice %arg7[%add3A_138, %dma_start3A_144] : memref<32x200xi32, #tpu.memory_space<vmem>> -> memref<1x104xi32, #tpu.memory_space<vmem>>
      %dma_start3A_146 = tpu.memref_squeeze %dma_start3A_145 : memref<1x104xi32, #tpu.memory_space<vmem>> -> memref<104xi32, #tpu.memory_space<vmem>>
      %dma_start3A_147 = arith.constant 0 : i32
      %dma_start3A_148 = arith.constant 0 : i32
      %dma_start3A_149 = tpu.memref_slice %arg4[%dma_start3A_147, %dma_start3A_148] : memref<1000000x64xf32, #tpu.memory_space<hbm>> -> memref<1000000x64xf32, #tpu.memory_space<hbm>>
      tpu.enqueue_indirect_dma source(%dma_start3A_149 : memref<1000000x64xf32, #tpu.memory_space<hbm>>) target(%dma_start3A_143 : memref<104x64xf32, #tpu.memory_space<vmem>>) offsets(%dma_start3A_146 : memref<104xi32, #tpu.memory_space<vmem>>) semaphore(%arg13 : memref<!tpu.dma_semaphore, #tpu.memory_space<semaphore_mem>>) {add = true}
      %add3A_150 = arith.constant 1 : i32
      %add3A_151 = arith.addi %mul3A_91, %add3A_150 : i32
      %dma_start3A_152 = arith.constant 1 : i32
      %dma_start3A_153 = arith.constant 104 : i32
      %dma_start3A_154 = arith.constant 0 : i32
      %dma_start3A_155 = tpu.memref_slice %arg10[%rem3A_89, %dma_start3A_152, %dma_start3A_153, %dma_start3A_154] : memref<2x2x200x64xf32, #tpu.memory_space<vmem>> -> memref<1x1x96x64xf32, #tpu.memory_space<vmem>>
      %dma_start3A_156 = tpu.memref_squeeze %dma_start3A_155 : memref<1x1x96x64xf32, #tpu.memory_space<vmem>> -> memref<96x64xf32, #tpu.memory_space<vmem>>
      %dma_start3A_157 = arith.constant 104 : i32
      %dma_start3A_158 = tpu.memref_slice %arg7[%add3A_151, %dma_start3A_157] : memref<32x200xi32, #tpu.memory_space<vmem>> -> memref<1x96xi32, #tpu.memory_space<vmem>>
      %dma_start3A_159 = tpu.memref_squeeze %dma_start3A_158 : memref<1x96xi32, #tpu.memory_space<vmem>> -> memref<96xi32, #tpu.memory_space<vmem>>
      %dma_start3A_160 = arith.constant 0 : i32
      %dma_start3A_161 = arith.constant 0 : i32
      %dma_start3A_162 = tpu.memref_slice %arg4[%dma_start3A_160, %dma_start3A_161] : memref<1000000x64xf32, #tpu.memory_space<hbm>> -> memref<1000000x64xf32, #tpu.memory_space<hbm>>
      tpu.enqueue_indirect_dma source(%dma_start3A_162 : memref<1000000x64xf32, #tpu.memory_space<hbm>>) target(%dma_start3A_156 : memref<96x64xf32, #tpu.memory_space<vmem>>) offsets(%dma_start3A_159 : memref<96xi32, #tpu.memory_space<vmem>>) semaphore(%arg13 : memref<!tpu.dma_semaphore, #tpu.memory_space<semaphore_mem>>) {add = true}
      %ge3A = arith.constant 1 : i32
      %ge3A_163 = arith.cmpi sge, %scan3A_87, %ge3A : i32
      %convert_element_type3A_164 = arith.extui %ge3A_163 : i1 to i32
      %cond3A_165 = arith.constant 0 : i32
      %cond3A_166 = arith.cmpi ne, %convert_element_type3A_164, %cond3A_165 : i32
      scf.if %cond3A_166 {
        %dma_wait3A_208 = arith.constant 0 : i32
        %dma_wait3A_209 = arith.constant 0 : i32
        %dma_wait3A_210 = arith.constant 0 : i32
        %dma_wait3A_211 = arith.constant 0 : i32
        %dma_wait3A_212 = tpu.memref_slice %arg10[%dma_wait3A_208, %dma_wait3A_209, %dma_wait3A_210, %dma_wait3A_211] : memref<2x2x200x64xf32, #tpu.memory_space<vmem>> -> memref<1x2x200x64xf32, #tpu.memory_space<vmem>>
        %dma_wait3A_213 = tpu.memref_squeeze %dma_wait3A_212 : memref<1x2x200x64xf32, #tpu.memory_space<vmem>> -> memref<2x200x64xf32, #tpu.memory_space<vmem>>
        %dma_wait3A_214 = arith.constant 0 : i32
        %dma_wait3A_215 = arith.constant 0 : i32
        %dma_wait3A_216 = arith.constant 0 : i32
        %dma_wait3A_217 = tpu.memref_slice %arg6[%dma_wait3A_214, %dma_wait3A_215, %dma_wait3A_216] : memref<1024x200x64xf32, #tpu.memory_space<hbm>> -> memref<2x200x64xf32, #tpu.memory_space<hbm>>
        %dma_wait3A_218 = arith.constant 0 : i32
        %dma_wait3A_219 = arith.constant 0 : i32
        %dma_wait3A_220 = arith.constant 0 : i32
        %dma_wait3A_221 = tpu.memref_slice %arg10[%dma_wait3A_208, %dma_wait3A_218, %dma_wait3A_219, %dma_wait3A_220] : memref<2x2x200x64xf32, #tpu.memory_space<vmem>> -> memref<1x2x200x64xf32, #tpu.memory_space<vmem>>
        %dma_wait3A_222 = tpu.memref_squeeze %dma_wait3A_221 : memref<1x2x200x64xf32, #tpu.memory_space<vmem>> -> memref<2x200x64xf32, #tpu.memory_space<vmem>>
        %dma_wait3A_223 = arith.constant 0 : i32
        %dma_wait3A_224 = arith.constant 0 : i32
        %dma_wait3A_225 = arith.constant 0 : i32
        %dma_wait3A_226 = tpu.memref_slice %arg6[%dma_wait3A_223, %dma_wait3A_224, %dma_wait3A_225] : memref<1024x200x64xf32, #tpu.memory_space<hbm>> -> memref<2x200x64xf32, #tpu.memory_space<hbm>>
        tpu.wait_dma2 semaphore(%arg14 : memref<!tpu.dma_semaphore, #tpu.memory_space<semaphore_mem>>) src(%dma_wait3A_226 : memref<2x200x64xf32, #tpu.memory_space<hbm>>) dst(%dma_wait3A_222 : memref<2x200x64xf32, #tpu.memory_space<vmem>>)
      } else {
      }
      %le3A = arith.constant 14 : i32
      %le3A_167 = arith.cmpi sle, %scan3A_87, %le3A : i32
      %convert_element_type3A_168 = arith.extui %le3A_167 : i1 to i32
      %cond3A_169 = arith.constant 0 : i32
      %cond3A_170 = arith.cmpi ne, %convert_element_type3A_168, %cond3A_169 : i32
      scf.if %cond3A_170 {
        %add3A_208 = arith.constant 1 : i32
        %add3A_209 = arith.addi %scan3A_87, %add3A_208 : i32
        %sub3A = arith.constant 1 : i32
        %sub3A_210 = arith.subi %sub3A, %rem3A_89 : i32
        %mul3A_211 = arith.constant 2 : i32
        %mul3A_212 = arith.muli %add3A_209, %mul3A_211 : i32
        %add3A_213 = arith.constant 0 : i32
        %add3A_214 = arith.addi %mul3A_212, %add3A_213 : i32
        %dma_start3A_215 = arith.constant 0 : i32
        %dma_start3A_216 = arith.constant 0 : i32
        %dma_start3A_217 = arith.constant 0 : i32
        %dma_start3A_218 = tpu.memref_slice %arg10[%sub3A_210, %dma_start3A_215, %dma_start3A_216, %dma_start3A_217] : memref<2x2x200x64xf32, #tpu.memory_space<vmem>> -> memref<1x1x104x64xf32, #tpu.memory_space<vmem>>
        %dma_start3A_219 = tpu.memref_squeeze %dma_start3A_218 : memref<1x1x104x64xf32, #tpu.memory_space<vmem>> -> memref<104x64xf32, #tpu.memory_space<vmem>>
        %dma_start3A_220 = arith.constant 0 : i32
        %dma_start3A_221 = tpu.memref_slice %arg9[%add3A_214, %dma_start3A_220] : memref<32x200xi32, #tpu.memory_space<vmem>> -> memref<1x104xi32, #tpu.memory_space<vmem>>
        %dma_start3A_222 = tpu.memref_squeeze %dma_start3A_221 : memref<1x104xi32, #tpu.memory_space<vmem>> -> memref<104xi32, #tpu.memory_space<vmem>>
        %dma_start3A_223 = arith.constant 0 : i32
        %dma_start3A_224 = arith.constant 0 : i32
        %dma_start3A_225 = tpu.memref_slice %arg11[%dma_start3A_223, %dma_start3A_224] : memref<600x64xf32, #tpu.memory_space<vmem_shared>> -> memref<600x64xf32, #tpu.memory_space<vmem_shared>>
        tpu.enqueue_indirect_dma source(%dma_start3A_225 : memref<600x64xf32, #tpu.memory_space<vmem_shared>>) target(%dma_start3A_219 : memref<104x64xf32, #tpu.memory_space<vmem>>) offsets(%dma_start3A_222 : memref<104xi32, #tpu.memory_space<vmem>>) semaphore(%arg12 : memref<!tpu.dma_semaphore, #tpu.memory_space<semaphore_mem>>)
        %add3A_226 = arith.constant 0 : i32
        %add3A_227 = arith.addi %mul3A_212, %add3A_226 : i32
        %dma_start3A_228 = arith.constant 0 : i32
        %dma_start3A_229 = arith.constant 104 : i32
        %dma_start3A_230 = arith.constant 0 : i32
        %dma_start3A_231 = tpu.memref_slice %arg10[%sub3A_210, %dma_start3A_228, %dma_start3A_229, %dma_start3A_230] : memref<2x2x200x64xf32, #tpu.memory_space<vmem>> -> memref<1x1x96x64xf32, #tpu.memory_space<vmem>>
        %dma_start3A_232 = tpu.memref_squeeze %dma_start3A_231 : memref<1x1x96x64xf32, #tpu.memory_space<vmem>> -> memref<96x64xf32, #tpu.memory_space<vmem>>
        %dma_start3A_233 = arith.constant 104 : i32
        %dma_start3A_234 = tpu.memref_slice %arg9[%add3A_227, %dma_start3A_233] : memref<32x200xi32, #tpu.memory_space<vmem>> -> memref<1x96xi32, #tpu.memory_space<vmem>>
        %dma_start3A_235 = tpu.memref_squeeze %dma_start3A_234 : memref<1x96xi32, #tpu.memory_space<vmem>> -> memref<96xi32, #tpu.memory_space<vmem>>
        %dma_start3A_236 = arith.constant 0 : i32
        %dma_start3A_237 = arith.constant 0 : i32
        %dma_start3A_238 = tpu.memref_slice %arg11[%dma_start3A_236, %dma_start3A_237] : memref<600x64xf32, #tpu.memory_space<vmem_shared>> -> memref<600x64xf32, #tpu.memory_space<vmem_shared>>
        tpu.enqueue_indirect_dma source(%dma_start3A_238 : memref<600x64xf32, #tpu.memory_space<vmem_shared>>) target(%dma_start3A_232 : memref<96x64xf32, #tpu.memory_space<vmem>>) offsets(%dma_start3A_235 : memref<96xi32, #tpu.memory_space<vmem>>) semaphore(%arg12 : memref<!tpu.dma_semaphore, #tpu.memory_space<semaphore_mem>>)
        %add3A_239 = arith.constant 1 : i32
        %add3A_240 = arith.addi %mul3A_212, %add3A_239 : i32
        %dma_start3A_241 = arith.constant 1 : i32
        %dma_start3A_242 = arith.constant 0 : i32
        %dma_start3A_243 = arith.constant 0 : i32
        %dma_start3A_244 = tpu.memref_slice %arg10[%sub3A_210, %dma_start3A_241, %dma_start3A_242, %dma_start3A_243] : memref<2x2x200x64xf32, #tpu.memory_space<vmem>> -> memref<1x1x104x64xf32, #tpu.memory_space<vmem>>
        %dma_start3A_245 = tpu.memref_squeeze %dma_start3A_244 : memref<1x1x104x64xf32, #tpu.memory_space<vmem>> -> memref<104x64xf32, #tpu.memory_space<vmem>>
        %dma_start3A_246 = arith.constant 0 : i32
        %dma_start3A_247 = tpu.memref_slice %arg9[%add3A_240, %dma_start3A_246] : memref<32x200xi32, #tpu.memory_space<vmem>> -> memref<1x104xi32, #tpu.memory_space<vmem>>
        %dma_start3A_248 = tpu.memref_squeeze %dma_start3A_247 : memref<1x104xi32, #tpu.memory_space<vmem>> -> memref<104xi32, #tpu.memory_space<vmem>>
        %dma_start3A_249 = arith.constant 0 : i32
        %dma_start3A_250 = arith.constant 0 : i32
        %dma_start3A_251 = tpu.memref_slice %arg11[%dma_start3A_249, %dma_start3A_250] : memref<600x64xf32, #tpu.memory_space<vmem_shared>> -> memref<600x64xf32, #tpu.memory_space<vmem_shared>>
        tpu.enqueue_indirect_dma source(%dma_start3A_251 : memref<600x64xf32, #tpu.memory_space<vmem_shared>>) target(%dma_start3A_245 : memref<104x64xf32, #tpu.memory_space<vmem>>) offsets(%dma_start3A_248 : memref<104xi32, #tpu.memory_space<vmem>>) semaphore(%arg12 : memref<!tpu.dma_semaphore, #tpu.memory_space<semaphore_mem>>)
        %add3A_252 = arith.constant 1 : i32
        %add3A_253 = arith.addi %mul3A_212, %add3A_252 : i32
        %dma_start3A_254 = arith.constant 1 : i32
        %dma_start3A_255 = arith.constant 104 : i32
        %dma_start3A_256 = arith.constant 0 : i32
        %dma_start3A_257 = tpu.memref_slice %arg10[%sub3A_210, %dma_start3A_254, %dma_start3A_255, %dma_start3A_256] : memref<2x2x200x64xf32, #tpu.memory_space<vmem>> -> memref<1x1x96x64xf32, #tpu.memory_space<vmem>>
        %dma_start3A_258 = tpu.memref_squeeze %dma_start3A_257 : memref<1x1x96x64xf32, #tpu.memory_space<vmem>> -> memref<96x64xf32, #tpu.memory_space<vmem>>
        %dma_start3A_259 = arith.constant 104 : i32
        %dma_start3A_260 = tpu.memref_slice %arg9[%add3A_253, %dma_start3A_259] : memref<32x200xi32, #tpu.memory_space<vmem>> -> memref<1x96xi32, #tpu.memory_space<vmem>>
        %dma_start3A_261 = tpu.memref_squeeze %dma_start3A_260 : memref<1x96xi32, #tpu.memory_space<vmem>> -> memref<96xi32, #tpu.memory_space<vmem>>
        %dma_start3A_262 = arith.constant 0 : i32
        %dma_start3A_263 = arith.constant 0 : i32
        %dma_start3A_264 = tpu.memref_slice %arg11[%dma_start3A_262, %dma_start3A_263] : memref<600x64xf32, #tpu.memory_space<vmem_shared>> -> memref<600x64xf32, #tpu.memory_space<vmem_shared>>
        tpu.enqueue_indirect_dma source(%dma_start3A_264 : memref<600x64xf32, #tpu.memory_space<vmem_shared>>) target(%dma_start3A_258 : memref<96x64xf32, #tpu.memory_space<vmem>>) offsets(%dma_start3A_261 : memref<96xi32, #tpu.memory_space<vmem>>) semaphore(%arg12 : memref<!tpu.dma_semaphore, #tpu.memory_space<semaphore_mem>>)
      } else {
      }
      %dma_wait3A_171 = arith.constant 0 : i32
      %dma_wait3A_172 = arith.constant 0 : i32
      %dma_wait3A_173 = arith.constant 0 : i32
      %dma_wait3A_174 = arith.constant 0 : i32
      %dma_wait3A_175 = tpu.memref_slice %arg10[%dma_wait3A_171, %dma_wait3A_172, %dma_wait3A_173, %dma_wait3A_174] : memref<2x2x200x64xf32, #tpu.memory_space<vmem>> -> memref<1x2x200x64xf32, #tpu.memory_space<vmem>>
      %dma_wait3A_176 = tpu.memref_squeeze %dma_wait3A_175 : memref<1x2x200x64xf32, #tpu.memory_space<vmem>> -> memref<2x200x64xf32, #tpu.memory_space<vmem>>
      %dma_wait3A_177 = arith.constant 0 : i32
      %dma_wait3A_178 = arith.constant 0 : i32
      %dma_wait3A_179 = arith.constant 0 : i32
      %dma_wait3A_180 = tpu.memref_slice %arg6[%dma_wait3A_177, %dma_wait3A_178, %dma_wait3A_179] : memref<1024x200x64xf32, #tpu.memory_space<hbm>> -> memref<2x200x64xf32, #tpu.memory_space<hbm>>
      %dma_wait3A_181 = arith.constant 0 : i32
      %dma_wait3A_182 = arith.constant 0 : i32
      %dma_wait3A_183 = arith.constant 0 : i32
      %dma_wait3A_184 = tpu.memref_slice %arg10[%dma_wait3A_171, %dma_wait3A_181, %dma_wait3A_182, %dma_wait3A_183] : memref<2x2x200x64xf32, #tpu.memory_space<vmem>> -> memref<1x2x200x64xf32, #tpu.memory_space<vmem>>
      %dma_wait3A_185 = tpu.memref_squeeze %dma_wait3A_184 : memref<1x2x200x64xf32, #tpu.memory_space<vmem>> -> memref<2x200x64xf32, #tpu.memory_space<vmem>>
      %dma_wait3A_186 = arith.constant 0 : i32
      %dma_wait3A_187 = arith.constant 0 : i32
      %dma_wait3A_188 = arith.constant 0 : i32
      %dma_wait3A_189 = tpu.memref_slice %arg6[%dma_wait3A_186, %dma_wait3A_187, %dma_wait3A_188] : memref<1024x200x64xf32, #tpu.memory_space<hbm>> -> memref<2x200x64xf32, #tpu.memory_space<hbm>>
      tpu.wait_dma2 semaphore(%arg13 : memref<!tpu.dma_semaphore, #tpu.memory_space<semaphore_mem>>) src(%dma_wait3A_189 : memref<2x200x64xf32, #tpu.memory_space<hbm>>) dst(%dma_wait3A_185 : memref<2x200x64xf32, #tpu.memory_space<vmem>>)
      %add3A_190 = arith.addi %mul3A_2, %mul3A_91 : i32
      %dma_start3A_191 = arith.constant 0 : i32
      %dma_start3A_192 = arith.constant 0 : i32
      %dma_start3A_193 = arith.constant 0 : i32
      %dma_start3A_194 = tpu.memref_slice %arg10[%rem3A_89, %dma_start3A_191, %dma_start3A_192, %dma_start3A_193] : memref<2x2x200x64xf32, #tpu.memory_space<vmem>> -> memref<1x2x200x64xf32, #tpu.memory_space<vmem>>
      %dma_start3A_195 = tpu.memref_squeeze %dma_start3A_194 : memref<1x2x200x64xf32, #tpu.memory_space<vmem>> -> memref<2x200x64xf32, #tpu.memory_space<vmem>>
      %dma_start3A_196 = arith.constant 0 : i32
      %dma_start3A_197 = arith.constant 0 : i32
      %dma_start3A_198 = tpu.memref_slice %arg6[%add3A_190, %dma_start3A_196, %dma_start3A_197] : memref<1024x200x64xf32, #tpu.memory_space<hbm>> -> memref<2x200x64xf32, #tpu.memory_space<hbm>>
      %dma_start3A_199 = arith.constant 0 : i32
      %dma_start3A_200 = arith.constant 0 : i32
      %dma_start3A_201 = tpu.memref_slice %arg6[%add3A_190, %dma_start3A_199, %dma_start3A_200] : memref<1024x200x64xf32, #tpu.memory_space<hbm>> -> memref<2x200x64xf32, #tpu.memory_space<hbm>>
      %dma_start3A_202 = arith.constant 0 : i32
      %dma_start3A_203 = arith.constant 0 : i32
      %dma_start3A_204 = arith.constant 0 : i32
      %dma_start3A_205 = tpu.memref_slice %arg10[%rem3A_89, %dma_start3A_202, %dma_start3A_203, %dma_start3A_204] : memref<2x2x200x64xf32, #tpu.memory_space<vmem>> -> memref<1x2x200x64xf32, #tpu.memory_space<vmem>>
      %dma_start3A_206 = tpu.memref_squeeze %dma_start3A_205 : memref<1x2x200x64xf32, #tpu.memory_space<vmem>> -> memref<2x200x64xf32, #tpu.memory_space<vmem>>
      tpu.enqueue_dma source(%dma_start3A_206 : memref<2x200x64xf32, #tpu.memory_space<vmem>>) target(%dma_start3A_201 : memref<2x200x64xf32, #tpu.memory_space<hbm>>) target_semaphore(%arg14 : memref<!tpu.dma_semaphore, #tpu.memory_space<semaphore_mem>>)
      %scan3A_207 = arith.constant 0 : i32
      scf.yield %scan3A_207 : i32
    }
    %scan3A_68 = arith.constant 16 : i32
    %dma_wait3A = arith.constant 0 : i32
    %dma_wait3A_69 = arith.constant 0 : i32
    %dma_wait3A_70 = arith.constant 0 : i32
    %dma_wait3A_71 = arith.constant 0 : i32
    %dma_wait3A_72 = tpu.memref_slice %arg10[%dma_wait3A, %dma_wait3A_69, %dma_wait3A_70, %dma_wait3A_71] : memref<2x2x200x64xf32, #tpu.memory_space<vmem>> -> memref<1x2x200x64xf32, #tpu.memory_space<vmem>>
    %dma_wait3A_73 = tpu.memref_squeeze %dma_wait3A_72 : memref<1x2x200x64xf32, #tpu.memory_space<vmem>> -> memref<2x200x64xf32, #tpu.memory_space<vmem>>
    %dma_wait3A_74 = arith.constant 0 : i32
    %dma_wait3A_75 = arith.constant 0 : i32
    %dma_wait3A_76 = arith.constant 0 : i32
    %dma_wait3A_77 = tpu.memref_slice %arg6[%dma_wait3A_74, %dma_wait3A_75, %dma_wait3A_76] : memref<1024x200x64xf32, #tpu.memory_space<hbm>> -> memref<2x200x64xf32, #tpu.memory_space<hbm>>
    %dma_wait3A_78 = arith.constant 0 : i32
    %dma_wait3A_79 = arith.constant 0 : i32
    %dma_wait3A_80 = arith.constant 0 : i32
    %dma_wait3A_81 = tpu.memref_slice %arg10[%dma_wait3A, %dma_wait3A_78, %dma_wait3A_79, %dma_wait3A_80] : memref<2x2x200x64xf32, #tpu.memory_space<vmem>> -> memref<1x2x200x64xf32, #tpu.memory_space<vmem>>
    %dma_wait3A_82 = tpu.memref_squeeze %dma_wait3A_81 : memref<1x2x200x64xf32, #tpu.memory_space<vmem>> -> memref<2x200x64xf32, #tpu.memory_space<vmem>>
    %dma_wait3A_83 = arith.constant 0 : i32
    %dma_wait3A_84 = arith.constant 0 : i32
    %dma_wait3A_85 = arith.constant 0 : i32
    %dma_wait3A_86 = tpu.memref_slice %arg6[%dma_wait3A_83, %dma_wait3A_84, %dma_wait3A_85] : memref<1024x200x64xf32, #tpu.memory_space<hbm>> -> memref<2x200x64xf32, #tpu.memory_space<hbm>>
    tpu.wait_dma2 semaphore(%arg14 : memref<!tpu.dma_semaphore, #tpu.memory_space<semaphore_mem>>) src(%dma_wait3A_86 : memref<2x200x64xf32, #tpu.memory_space<hbm>>) dst(%dma_wait3A_82 : memref<2x200x64xf32, #tpu.memory_space<vmem>>)
    return
  }
}

</mosaic_0001>

<sc_bundles>
// kernel: kernel.3.cloned.1.call-start
scs
__scs_entry_jumppad:
0x0: {  	(pc) =	sbr.rel $0x88, $3  }
0x1: {  	(tag) =	ssettag $0x0;
	lr =	simm.s32 $0x1  }
0x2: {  	[smem:$0x3F9C] =	sst lr;
	_ =	strace $0xD0000000  }
0x3: {  	_ = 	snop  }
0x4: {  	_ = 	snop  }
0x5: {  	_ = 	snop  }
0x6: {  	_ = 	snop  }
0x7: {  	_ = 	snop  }
__scs_overlays_trampoline_lowered:
0x8: {  	[smem:$0x3FAB] =	sst s0  }
0x9: {  	[smem:$0x3FAC] =	sst s1  }
0xa: {  	[smem:$0x3FAD] =	sst s2  }
0xb: {  	[smem:$0x3FAE] =	sst s3  }
0xc: {  	[smem:$0x3FAF] =	sst s4  }
0xd: {  	[smem:$0x3FB0] =	sst s5  }
0xe: {  	[smem:$0x3FB1] =	sst s6  }
0xf: {  	[smem:$0x3FB2] =	sst s7  }
0x10: {  	[smem:$0x3FB3] =	sst s8  }
0x11: {  	[smem:$0x3FB4] =	sst s9;
	s0 =	simm.s32 @!p0 $0x0  }
0x12: {  	s1 =	sld [smem:$0x3F9A];
	s0 =	simm.s32 @p0 $0x1  }
0x13: {  	[smem:$0x3FB5] =	sst s0;
	s0 =	simm.s32 @!p1 $0x0  }
0x14: {  	s2 =	sld [smem:$0x3F99];
	s0 =	simm.s32 @p1 $0x1  }
0x15: {  	[smem:$0x3FB6] =	sst s0;
	s0 =	simm.s32 @!p2 $0x0  }
0x16: {  	s3 =	sld [smem:$0x3FDB];
	s0 =	simm.s32 @p2 $0x1  }
0x17: {  	s4 =	simm.s32 $0x1BF5;
	[smem:$0x3FB8] =	sst s0  }
0x18: {  	s0 =	sld [smem:$0x3F9B];
	_ =	swait.ge [sflag:s4], $0x0  }
0x19: {  	s7 =	sld [smem:$0x3F9C]  }
0x1a: {  	s8 =	sadd.s32 $0xFFFFE003, lr  }
0x1b: {  	s9 =	sadd.s32 $0xFFFFFEF7, lr;
	s5 =	simm.s32 $0xFFFFFFFF;
	p2 =	slt.u32 s8, $0xFFFFF086  }
0x1c: {  	p1 =	slt.u32 s9, $0xF7A;
	s5 =	simm.s32 @!p2 $0x0  }
0x1d: {  	s5 =	simm.s32 @p1 $0x1;
	p0 =	seq.s32 s7, s2  }
0x1e: {  	s7 =	smul.u32 @!p0 $0xF7A, s2;
	p2 =	seq.s32 @!p0 s5, $0x0  }
0x1f: {  	s9 =	smul.u32 $0xF7A, s1;
	s8 =	simm.s32 @!p0 $0x1BF5;
	p2 =	por !p2, p0  }
0x20: {  	[sflag:s8] =	ssyncset.s32 @!p0 $0xFFFFF086;
	s6 =	sadd.s32 @!p0 s3, s7;
	s7 =	simm.s32 @!p0 $0x108  }
0x21: {  	s3 =	sadd.s32 s3, s9;
	s6 =	sadd.s32 @!p0 $0x88, s6;
	s7 =	simm.s32 @p2 $0x1082  }
0x22: {  	[simem:s7], [sflag:s8] =	dma.local @!p0 [hbm:s6], $0xF7A  }
0x23: {  	s9 =	sor.u32 $0xD0000000, s2;
	s6 =	simm.s32 $0x108;
	_ =	swait.ge @!p0 [sflag:s8], $0x0  }
0x24: {  	s3 =	sadd.s32 $0x88, s3;
	s6 =	simm.s32 @!p1 $0x1082;
	[sflag:s4] =	ssyncset.s32 $0xFFFFF086  }
0x25: {  	[simem:s6], [sflag:s4] =	dma.local [hbm:s3], $0xF7A  }
0x26: {  	[smem:$0x3F9C] =	sst s1;
	(tag) =	ssettag s2;
	_ =	strace s9  }
0x27: {  	s1 =	sld [smem:$0x3FAC]  }
0x28: {  	s2 =	sld [smem:$0x3FAD]  }
0x29: {  	s4 =	sld [smem:$0x3FAF]  }
0x2a: {  	p0 =	seq.s32 s5, $0x0;
	s5 =	sld [smem:$0x3FB0]  }
0x2b: {  	s6 =	sld [smem:$0x3FB1]  }
0x2c: {  	s7 =	sld [smem:$0x3FB2]  }
0x2d: {  	s3 =	simm.s32 $0x108;
	s8 =	sld [smem:$0x3FB3]  }
0x2e: {  	s3 =	simm.s32 @!p0 $0x1082;
	s9 =	sld [smem:$0x3FB4]  }
0x2f: {  	lr =	sadd.s32 s0, s3;
	s0 =	sld [smem:$0x3FAB]  }
0x30: {  	s3 =	sld [smem:$0x3FAE]  }
0x31: {  	[smem:$0x3FB7] =	sst s10  }
0x32: {  	s10 =	sld [smem:$0x3FB5];
	_ =	sdelay $0x3  }
0x33: {  	p0 =	seq.s32 s10, $0x1;
	s10 =	sld [smem:$0x3FB7];
	_ =	sdelay $0x3  }
0x34: {  	[smem:$0x3FB7] =	sst s10  }
0x35: {  	s10 =	sld [smem:$0x3FB6];
	_ =	sdelay $0x3  }
0x36: {  	p1 =	seq.s32 s10, $0x1;
	s10 =	sld [smem:$0x3FB7];
	_ =	sdelay $0x3  }
0x37: {  	[smem:$0x3FB7] =	sst s10  }
0x38: {  	s10 =	sld [smem:$0x3FB8]  }
0x39: {  	_ = 	snop;
	(pc) =	sbr.ind lr, $3  }
0x3a: {  	_ = 	snop  }
0x3b: {  	_ = 	snop  }
0x3c: {  	p2 =	seq.s32 s10, $0x1;
	s10 =	sld [smem:$0x3FB7]  }
0x3d: {  	_ =	shalt  }
0x3e: {  	_ =	shalt  }
0x3f: {  	_ =	shalt  }
0x40: {  	_ =	shalt  }
0x41: {  	_ =	shalt  }
0x42: {  	_ =	shalt  }
0x43: {  	_ =	shalt  }
0x44: {  	_ =	shalt  }
0x45: {  	_ =	shalt  }
0x46: {  	_ =	shalt  }
0x47: {  	_ =	shalt  }
0x48: {  	_ =	shalt  }
0x49: {  	_ =	shalt  }
0x4a: {  	_ =	shalt  }
0x4b: {  	_ =	shalt  }
0x4c: {  	_ =	shalt  }
0x4d: {  	_ =	shalt  }
0x4e: {  	_ =	shalt  }
0x4f: {  	_ =	shalt  }
0x50: {  	_ =	shalt  }
0x51: {  	_ =	shalt  }
0x52: {  	_ =	shalt  }
0x53: {  	_ =	shalt  }
0x54: {  	_ =	shalt  }
0x55: {  	_ =	shalt  }
0x56: {  	_ =	shalt  }
0x57: {  	_ =	shalt  }
0x58: {  	_ =	shalt  }
0x59: {  	_ =	shalt  }
0x5a: {  	_ =	shalt  }
0x5b: {  	_ =	shalt  }
0x5c: {  	_ =	shalt  }
0x5d: {  	_ =	shalt  }
0x5e: {  	_ =	shalt  }
0x5f: {  	_ =	shalt  }
0x60: {  	_ =	shalt  }
0x61: {  	_ =	shalt  }
0x62: {  	_ =	shalt  }
0x63: {  	_ =	shalt  }
0x64: {  	_ =	shalt  }
0x65: {  	_ =	shalt  }
0x66: {  	_ =	shalt  }
0x67: {  	_ =	shalt  }
0x68: {  	_ =	shalt  }
0x69: {  	_ =	shalt  }
0x6a: {  	_ =	shalt  }
0x6b: {  	_ =	shalt  }
0x6c: {  	_ =	shalt  }
0x6d: {  	_ =	shalt  }
0x6e: {  	_ =	shalt  }
0x6f: {  	_ =	shalt  }
0x70: {  	_ =	shalt  }
0x71: {  	_ =	shalt  }
0x72: {  	_ =	shalt  }
0x73: {  	_ =	shalt  }
0x74: {  	_ =	shalt  }
0x75: {  	_ =	shalt  }
0x76: {  	_ =	shalt  }
0x77: {  	_ =	shalt  }
0x78: {  	_ =	shalt  }
0x79: {  	_ =	shalt  }
0x7a: {  	_ =	shalt  }
0x7b: {  	_ =	shalt  }
0x7c: {  	_ =	shalt  }
0x7d: {  	_ =	shalt  }
0x7e: {  	_ =	shalt  }
0x7f: {  	_ =	shalt  }
0x80: {  	_ =	shalt  }
0x81: {  	_ =	shalt  }
0x82: {  	_ =	shalt  }
0x83: {  	_ =	shalt  }
0x84: {  	_ =	shalt  }
0x85: {  	_ =	shalt  }
0x86: {  	_ =	shalt  }
0x87: {  	_ =	shalt  }
.Lfunc_end0:
.L_simem_size_0:
called_computation_lowered:
.L_overlay_start_0:
0x88: {  	s2 =	sld [smem:$0x3FD9]  }
0x89: {  	s3 =	sld [smem:$0x3FFE];
	_ =	sdelay $0x1  }
0x8a: {  	s1 =	srdreg.scid  }
0x8b: {  	s0 =	sand.u32 $0x1, s1  }
0x8c: {  	s17 =	sshll.u32 s0, $0xA;
	s2 =	sadd.s32 s3, s2  }
0x8d: {  	s2 =	sadd.s32 s2, s17  }
0x8e: {  	[smem:$0x3FC3] =	sst s2  }
0x8f: {  	_ = 	snop  }
0x90: {  	s2 =	sld [smem:$0x3FD0];
	(tm) =	ssettm $0x1  }
0x91: {  	s18 =	sld [smem:$0x3FFB];
	_ =	sdelay $0x3  }
0x92: {  	_ =	strace s18  }
0x93: {  	s3 =	sld [smem:$0x3FFC];
	_ =	sdelay $0x3  }
0x94: {  	_ =	strace s3  }
0x95: {  	s3 =	sld [smem:$0x3FFD];
	_ =	sdelay $0x3  }
0x96: {  	_ =	strace s3  }
0x97: {  	_ =	strace $0x8FFFFFFF  }
0x98: {  	s19 =	sld [smem:$0x3FDB];
	_ =	sdelay $0x1  }
0x99: {  	s4 =	simm.s32 $_scs_section_size  }
0x9a: {  	s5 =	simm.s32 $_size__tile_overlayer_lowered;
	s6 =	simm.s32 $_tile_overlayer_lowered  }
0x9b: {  	s22 =	simm.s32 $0x1BFF;
	s21 =	sshll.u32 s6, $0x1;
	s3 =	sadd.s32 s4, s19  }
0x9c: {  	s7 =	simm.s32 $0x0;
	s20 =	sshll.u32 s5, $0x1;
	s5 =	sadd.s32 s21, s3  }
0x9d: {  	[timem:s7], [sflag:s22] =	dma.local [hbm:s5], s20  }
0x9e: {  	_ =	swait.ge [sflag:s22], s20  }
0x9f: {  	s4 =	ssub.s32 $0x0, s20;
	[sflag:s22] =	ssyncset.done $0x0  }
0xa0: {  	[sflag:s22] =	ssyncadd.s32 s4;
	_ =	sdelay $0x1  }
0xa1: {  	s23 =	simm.s32 $0x1B8B  }
0xa2: {  	_ =	swait.ge [sflag:s23], $0x1  }
0xa3: {  	[sflag:s23] =	ssyncset.done $0x0  }
0xa4: {  	s25 =	simm.s32 $0x1B8E;
	s24 =	sld [smem:$0x3FFE];
	[sflag:s23] =	ssyncadd.s32 $0xFFFFFFFF  }
0xa5: {  	s26 =	simm.s32 $execute0_lowered;
	[smem:$0x3FD2] =	sst s25  }
0xa6: {  	s5 =	sshll.u32 s26, $0x1;
	_ =	strace $0x80000046;
	[dreg:$0x1] =	wrdreg $0xFFFFFFFF  }
0xa7: {  	s28 =	simm.s32 $_size_execute0_lowered;
	s3 =	sadd.s32 s3, s5;
	[dreg:$0x0] =	wrdreg $0x0  }
0xa8: {  	s5 =	sshll.u32 s28, $0x1;
	[dreg:$0x2] =	wrdreg s3  }
0xa9: {  	[dreg:$0x3] =	wrdreg s5  }
0xaa: {  	[dreg:$0x4] =	wrdreg $0xC0  }
0xab: {  	_ =	task [dreg:s7], $0x5FFFF  }
0xac: {  	[dreg:$0x1] =	wrdreg $0xFFFFFFFF  }
0xad: {  	[dreg:$0x0] =	wrdreg $0x60  }
0xae: {  	[dreg:$0x2] =	wrdreg s2  }
0xaf: {  	[dreg:$0x3] =	wrdreg s24  }
0xb0: {  	[dreg:$0x4] =	wrdreg $0x113000  }
0xb1: {  	[dreg:$0x5] =	wrdreg $0x9  }
0xb2: {  	_ =	task.clear_ibuf [dreg:s7], $0x6FFFF;
	_ =	strace $0x90000046  }
0xb3: {  	s29 =	simm.s32 $0x9;
	_ =	strace $0x80000048  }
0xb4: {  	_ =	swait.ge [sflag:s29], $0x1  }
0xb5: {  	[sflag:s29] =	ssyncadd.s32 $0xFFFFFFFF  }
0xb6: {  	_ =	strace $0x90000048  }
0xb7: {  	_ =	sfence  }
0xb8: {  	s30 =	sld [smem:$0x0];
	_ =	sdelay $0x2  }
0xb9: {  	s31 =	sshll.u32 s1, $0xD;
	s1 =	sshrl.u32 s1, $0x2  }
0xba: {  	s3 =	sand.u32 $0x4000, s31;
	s1 =	sadd.s32 s1, s30  }
0xbb: {  	s0 =	sor.u32 s3, s0;
	s1 =	sshll.u32 s1, $0x11  }
0xbc: {  	s0 =	sor.u32 s1, s0  }
0xbd: {  	s0 =	sadd.s32 $0x8F2B, s0  }
0xbe: {  	[sflag:s0] =	ssyncadd.remote.s32 $0x1  }
0xbf: {  	_ =	sfence.sel $0xFFFF  }
0xc0: {  	[dreg:$0x0] =	wrdreg $0xFFFFFFFF;
	(pc) =	sbr.abs _section_cstart, $3  }
0xc1: {  	[dreg:$0x1] =	wrdreg $0xFFFFFFFF  }
0xc2: {  	_ =	task.clear_ibuf [dreg:s7], $0x2FFFF;
	_ =	strace $0x9FFFFFFF  }
0xc3: {  	(tm) =	ssettm $0x7FFFFFFF  }
tec
execute0_lowered:
.L_overlay_start_1:
0x0: {  	(tag) =	ssettag $0x1  }
0x1: {  	s0 =	srdreg.scid;
	s4 =	rddreg [dreg:$0x0]  }
0x2: {  	s6 =	stileid.u32;
	s5 =	rddreg [dreg:$0x1]  }
0x3: {  	s1 =	rddreg [dreg:$0x2];
	s14 =	simm.s32 $0x68;
	s16 =	simm.s32 $0x4B00  }
0x4: {  	s17 =	simm.s32 $0x60;
	s23 =	simm.s32 $0x9700;
	s28 =	simm.s32 $0xAF00  }
0x5: {  	s30 =	simm.s32 $0xC900;
	s15 =	simm.s32 $0xFB00;
	s18 =	simm.s32 $0x2  }
0x6: {  	s20 =	simm.s32 $0x1;
	s22 =	simm.s32 $0x3;
	s0 =	sand.u32 $0x1, s0  }
0x7: {  	s2 =	sshll.u32 s6, $0x6;
	s24 =	sadd.s32 $0x7000, s5;
	s12 =	smul.u32 $0x19000, s6  }
0x8: {  	p0 =	sne.s32 s6, $0x0;
	s3 =	sshll.u32 s0, $0x5;
	s10 =	ssub.s32 $0x2, s0  }
0x9: {  	s0 =	smul.u32 $0xC800, s0;
	s7 =	sor.u32 s3, s2;
	s2 =	simm.s32 $0x0  }
0xa: {  	s3 =	sadd.s32 $0xF43000, s5;
	s25 =	sshrl.u32 s10, $0x1;
	s8 =	smul.u32 $0x19, s7  }
0xb: {  	[smem:$0x7FF] =	sst s2;
	s11 =	smul.u32 $0x640, s7;
	s7 =	ssub.s32 s10, s25  }
0xc: {  	v0 =	vlaneseq.u32;
	_ =	strace $0x80000047;
	[dreg:$0x4] =	wrdreg s24;
	s7 =	smax.u32 s7, $0x1  }
0xd: {  	v0 =	vmul.u32 $0x3, v0;
	s24 =	simm.s32 $0x0;
	s4 =	sadd.s32 s4, s8;
	[dreg:$0x7] =	wrdreg s7  }
0xe: {  	s9 =	sadd.s32 s8, s5;
	s5 =	sadd.s32 $0x8400, s5;
	[dreg:$0x5] =	wrdreg s4  }
0xf: {  	v1 =	vadd.s32 $0x30, v0;
	v2 =	vadd.s32 $0x60, v0;
	v3 =	vadd.s32 $0x90, v0;
	s26 =	sadd.s32 $0xC00, s9;
	s29 =	sadd.s32 s12, s5;
	s8 =	sadd.s32 s5, s11  }
0x10: {  	v4 =	vor.u32 $0xC0, v0;
	v5 =	vadd.s32 $0xF0, v0;
	v6 =	vadd.s32 $0x120, v0;
	[dreg:$0x6] =	wrdreg s26;
	s0 =	sadd.s32 s0, s29;
	s31 =	sadd.s32 $0xBB80, s8  }
0x11: {  	v7 =	vadd.s32 $0x150, v0;
	v8 =	vor.u32 $0x180, v0;
	v9 =	vadd.s32 $0x1B0, v0;
	[dreg:$0x8] =	wrdreg s31;
	s5 =	sadd.s32 $0xC80, s0;
	s0 =	sshrl.u32 @!p0 s1, $0x3  }
0x12: {  	v10 =	vadd.s32 $0x1E0, v0;
	v11 =	vadd.s32 $0x210, v0;
	v12 =	vadd.s32 $0x228, v0;
	s12 =	simm.s32 $0x4;
	[dreg:$0x9] =	wrdreg s0;
	s0 =	simm.s32 $0xE100  }
.LBB2_1:
0x13: {  	s6 =	rddreg [dreg:$0x4]  }
0x14: {  	s4 =	simm.s32 @!p0 $0x1C04;
	s7 =	rddreg [dreg:$0x9]  }
0x15: {  	[spmem:s7], [sflag:s4] =	dma.local @!p0 [hbm:s6], $0x12C0  }
0x16: {  	s4 =	simm.s32 @!p0 $0x4  }
0x17: {  	_ =	swait.ge @!p0 [sflag:s4], $0x12C0  }
0x18: {  	[sflag:s4] =	ssyncset.done @!p0 $0x0  }
0x19: {  	s26 =	rddreg [dreg:$0x5];
	[sflag:s4] =	ssyncadd.s32 @!p0 $0xFFFFED40  }
0x1a: {  	[tilespmem:s2], [sflag:$0x4] =	stream.linear.gather [hbm4b:s26+s2], $0x1900, $0x38;
	[tilespmem:$0x11C60] =	vst v63  }
0x1b: {  	_ =	swait.ge [sflag:s12], $0x1900  }
0x1c: {  	[sflag:s12] =	ssyncset.done $0x0  }
0x1d: {  	s31 =	simm.s32 $0x1900;
	s29 =	rddreg [dreg:$0x6];
	[sflag:s12] =	ssyncadd.s32 $0xFFFFE700  }
0x1e: {  	[tilespmem:s31], [sflag:$0x4] =	stream.linear.gather [hbm4b:s29+s2], $0x1900, $0x38;
	[tilespmem:$0x11C60] =	vst v63  }
0x1f: {  	_ =	swait.ge [sflag:s12], $0x1900  }
0x20: {  	[sflag:s12] =	ssyncset.done $0x0  }
0x21: {  	[sflag:s12] =	ssyncadd.s32 $0xFFFFE700  }
0x22: {  	s25 =	simm.s32 $0x0;
	[bflag:$0x0] =	sbarrier.arrive $0xFFFF  }
0x23: {  	v13 =	vld [tilespmem:s25+$0x19B0]  }
0x24: {  	v14 =	vld [tilespmem:s25+$0x19B8]  }
0x25: {  	v15 =	vld [tilespmem:s25+$0x1900]  }
0x26: {  	v16 =	vld [tilespmem:s25+$0x1910]  }
0x27: {  	v17 =	vld [tilespmem:s25+$0x1920]  }
0x28: {  	v18 =	vld [tilespmem:s25+$0x1930];
	v13 =	vadd.s32 v11, v13  }
0x29: {  	v19 =	vld [tilespmem:s25+$0x1940];
	[tilespmem:s25+$0x32B0] =	vst v13;
	v13 =	vadd.s32 v12, v14  }
0x2a: {  	v20 =	vld [tilespmem:s25+$0x1950];
	v14 =	vadd.s32 v0, v15;
	[tilespmem:s25+$0x32B8] =	vst v13  }
0x2b: {  	v21 =	vld [tilespmem:s25+$0x1960];
	[tilespmem:s25+$0x3200] =	vst v14;
	v13 =	vadd.s32 v1, v16  }
0x2c: {  	v14 =	vld [tilespmem:s25+$0x1970];
	[tilespmem:s25+$0x3210] =	vst v13;
	v13 =	vadd.s32 v2, v17  }
0x2d: {  	v15 =	vld [tilespmem:s25+$0x1980];
	[tilespmem:s25+$0x3220] =	vst v13;
	v13 =	vadd.s32 v3, v18  }
0x2e: {  	v16 =	vld [tilespmem:s25+$0x1990];
	[tilespmem:s25+$0x3230] =	vst v13;
	v13 =	vadd.s32 v4, v19  }
0x2f: {  	s13 =	simm.s32 $0xC8;
	v17 =	vld [tilespmem:s25+$0x19A0];
	v18 =	vadd.s32 v5, v20;
	[tilespmem:s25+$0x3240] =	vst v13  }
0x30: {  	s4 =	simm.s32 $0x640;
	v13 =	vld [tilespmem:s13+$0x19B0];
	[tilespmem:s25+$0x3250] =	vst v18;
	v18 =	vadd.s32 v6, v21  }
.LBB2_2:
0x31: {  	p1 =	sne.s32 s4, $0x60E0;
	v19 =	vld [tilespmem:s13+$0x19B8];
	[tilespmem:s25+$0x3260] =	vst v18;
	v14 =	vadd.s32 v7, v14  }
0x32: {  	v18 =	vld [tilespmem:s13+$0x1900];
	[tilespmem:s25+$0x3270] =	vst v14;
	v14 =	vadd.s32 v8, v15  }
0x33: {  	v15 =	vld [tilespmem:s13+$0x1910];
	[tilespmem:s25+$0x3280] =	vst v14;
	v14 =	vadd.s32 v9, v16  }
0x34: {  	v16 =	vld [tilespmem:s13+$0x1920];
	[tilespmem:s25+$0x3290] =	vst v14;
	v14 =	vadd.s32 v10, v17  }
0x35: {  	v17 =	vld [tilespmem:s13+$0x1930];
	v13 =	vadd.s32 v11, v13;
	[tilespmem:s25+$0x32A0] =	vst v14;
	s25 =	smov.u32 s13  }
0x36: {  	v20 =	vld [tilespmem:s25+$0x1940];
	[tilespmem:s25+$0x32B0] =	vst v13;
	v13 =	vadd.s32 v12, v19  }
0x37: {  	v14 =	vadd.s32 v0, v18;
	v18 =	vld [tilespmem:s25+$0x1950];
	[tilespmem:s25+$0x32B8] =	vst v13  }
0x38: {  	[tilespmem:s25+$0x3200] =	vst v14;
	v13 =	vadd.s32 v1, v15;
	v19 =	vld [tilespmem:s25+$0x1960]  }
.Ltmp0:
0x39: {  	[tilespmem:s25+$0x3210] =	vst v13;
	v13 =	vadd.s32 v2, v16;
	v14 =	vld [tilespmem:s25+$0x1970];
	(pc) =	sbr.rel @p1 .LBB2_2-.Ltmp0, $4  }
0x3a: {  	[tilespmem:s25+$0x3220] =	vst v13;
	v13 =	vadd.s32 v3, v17;
	v15 =	vld [tilespmem:s25+$0x1980]  }
0x3b: {  	[tilespmem:s25+$0x3230] =	vst v13;
	v13 =	vadd.s32 v4, v20;
	v16 =	vld [tilespmem:s25+$0x1990]  }
0x3c: {  	s13 =	sshra.s32 s4, $0x2;
	[tilespmem:s25+$0x3240] =	vst v13;
	v18 =	vadd.s32 v5, v18;
	v17 =	vld [tilespmem:s25+$0x19A0]  }
0x3d: {  	s4 =	sadd.s32 $0x320, s4;
	v13 =	vld [tilespmem:s13+$0x19B0];
	[tilespmem:s25+$0x3250] =	vst v18;
	v18 =	vadd.s32 v6, v19  }
0x3e: {  	v19 =	vld [tilespmem:s13+$0x19B8];
	[tilespmem:s25+$0x3260] =	vst v18;
	v14 =	vadd.s32 v7, v14  }
0x3f: {  	v18 =	vld [tilespmem:s13+$0x1900];
	[tilespmem:s25+$0x3270] =	vst v14;
	v14 =	vadd.s32 v8, v15  }
0x40: {  	v15 =	vld [tilespmem:s13+$0x1910];
	[tilespmem:s25+$0x3280] =	vst v14;
	v14 =	vadd.s32 v9, v16  }
0x41: {  	v58 =	vld [tilespmem:s13+$0x1920];
	[tilespmem:s25+$0x3290] =	vst v14;
	v14 =	vadd.s32 v10, v17  }
0x42: {  	v59 =	vld [tilespmem:s13+$0x1930];
	[tilespmem:s25+$0x32A0] =	vst v14;
	v13 =	vadd.s32 v11, v13  }
0x43: {  	v14 =	vld [tilespmem:s13+$0x1940];
	[tilespmem:s13+$0x32B0] =	vst v13;
	v13 =	vadd.s32 v12, v19  }
0x44: {  	v60 =	vld [tilespmem:s13+$0x1950];
	v18 =	vadd.s32 v0, v18;
	[tilespmem:s13+$0x32B8] =	vst v13  }
0x45: {  	[tilespmem:s13+$0x3200] =	vst v18;
	v13 =	vadd.s32 v1, v15;
	v15 =	vld [tilespmem:s13+$0x1960]  }
0x46: {  	v61 =	vld [tilespmem:s13+$0x1970];
	[tilespmem:s13+$0x3210] =	vst v13;
	v13 =	vadd.s32 v2, v58  }
0x47: {  	v62 =	vld [tilespmem:s13+$0x1980];
	[tilespmem:s13+$0x3220] =	vst v13;
	v13 =	vadd.s32 v3, v59  }
0x48: {  	[tilespmem:s13+$0x3230] =	vst v13;
	v13 =	vadd.s32 v4, v14;
	v14 =	vld [tilespmem:s13+$0x1990]  }
0x49: {  	v63 =	vld [tilespmem:s13+$0x19A0];
	[tilespmem:s13+$0x3240] =	vst v13;
	v13 =	vadd.s32 v5, v60  }
0x4a: {  	[tilespmem:s13+$0x3250] =	vst v13;
	v13 =	vadd.s32 v6, v15  }
0x4b: {  	[tilespmem:s13+$0x3260] =	vst v13;
	v13 =	vadd.s32 v7, v61  }
0x4c: {  	[tilespmem:s13+$0x3270] =	vst v13;
	v13 =	vadd.s32 v8, v62  }
0x4d: {  	[tilespmem:s13+$0x3280] =	vst v13;
	v13 =	vadd.s32 v9, v14  }
0x4e: {  	[tilespmem:s13+$0x3290] =	vst v13;
	v13 =	vadd.s32 v10, v63  }
0x4f: {  	s4 =	simm.s32 $0x3200;
	[tilespmem:s13+$0x32A0] =	vst v13  }
0x50: {  	[tilespmem:s16], [sflag:$0x1] =	stream.indirect.gather [spmem:s1], $0x40, s4, s14, $0xb8;
	[tilespmem:$0x11C60] =	vst v63  }
0x51: {  	s7 =	simm.s32 $0x6500;
	s13 =	simm.s32 $0x3268  }
0x52: {  	[tilespmem:s7], [sflag:$0x1] =	stream.indirect.gather [spmem:s1], $0x40, s13, s17, $0xb8;
	[tilespmem:$0x11C60] =	vst v63  }
0x53: {  	s19 =	simm.s32 $0x32C8;
	s9 =	simm.s32 $0x7D00  }
0x54: {  	[tilespmem:s9], [sflag:$0x1] =	stream.indirect.gather [spmem:s1], $0x40, s19, s14, $0xb8;
	[tilespmem:$0x11C60] =	vst v63  }
0x55: {  	s21 =	simm.s32 $0x3330;
	s25 =	simm.s32 $0x1  }
0x56: {  	[tilespmem:s23], [sflag:$0x1] =	stream.indirect.gather [spmem:s1], $0x40, s21, s17, $0xb8;
	[tilespmem:$0x11C60] =	vst v63  }
0x57: {  	_ =	swait.ge [sflag:s25], $0x6400  }
0x58: {  	[sflag:s25] =	ssyncset.done $0x0  }
0x59: {  	s6 =	simm.s32 $0x0;
	[sflag:s25] =	ssyncadd.s32 $0xFFFF9C00  }
0x5a: {  	[tilespmem:s16], [sflag:$0x2] =	stream.indirect.gather.add.f32 [hbm:s3], $0x40, s6, s14, $0xb8;
	[tilespmem:$0x11C60] =	vst v63  }
0x5b: {  	_ = 	snop  }
0x5c: {  	[tilespmem:s7], [sflag:$0x2] =	stream.indirect.gather.add.f32 [hbm:s3], $0x40, s14, s17, $0xb8;
	[tilespmem:$0x11C60] =	vst v63  }
0x5d: {  	s26 =	simm.s32 $0xC8  }
0x5e: {  	[tilespmem:s9], [sflag:$0x2] =	stream.indirect.gather.add.f32 [hbm:s3], $0x40, s26, s14, $0xb8;
	[tilespmem:$0x11C60] =	vst v63  }
0x5f: {  	s10 =	simm.s32 $0x130  }
0x60: {  	[tilespmem:s23], [sflag:$0x2] =	stream.indirect.gather.add.f32 [hbm:s3], $0x40, s10, s17, $0xb8;
	[tilespmem:$0x11C60] =	vst v63  }
0x61: {  	s11 =	simm.s32 $0x3390  }
0x62: {  	[tilespmem:s28], [sflag:$0x1] =	stream.indirect.gather [spmem:s1], $0x40, s11, s14, $0xb8;
	[tilespmem:$0x11C60] =	vst v63  }
0x63: {  	s13 =	simm.s32 $0x33F8  }
0x64: {  	[tilespmem:s30], [sflag:$0x1] =	stream.indirect.gather [spmem:s1], $0x40, s13, s17, $0xb8;
	[tilespmem:$0x11C60] =	vst v63  }
0x65: {  	s19 =	simm.s32 $0x3458  }
0x66: {  	[tilespmem:s0], [sflag:$0x1] =	stream.indirect.gather [spmem:s1], $0x40, s19, s14, $0xb8;
	[tilespmem:$0x11C60] =	vst v63  }
0x67: {  	s21 =	simm.s32 $0x34C0  }
0x68: {  	[tilespmem:s15], [sflag:$0x1] =	stream.indirect.gather [spmem:s1], $0x40, s21, s17, $0xb8;
	[tilespmem:$0x11C60] =	vst v63  }
0x69: {  	_ =	swait.ge [sflag:s18], $0x6400  }
0x6a: {  	s4 =	sand.u32 $0x1, s25;
	[sflag:s18] =	ssyncset.done $0x0  }
0x6b: {  	s25 =	smul.u32 $0x19000, s4;
	[sflag:s18] =	ssyncadd.s32 $0xFFFF9C00  }
0x6c: {  	[hbm4b:s8+s6] =	stream.linear.scatter [tilespmem:s16], [sflag:$0x3], $0x6400, $0x38;
	[tilespmem:$0x11C60] =	vst v63  }
0x6d: {  	_ =	swait.ge [sflag:s20], $0x6400  }
0x6e: {  	s6 =	sshrl.u32 s25, $0x2;
	[sflag:s20] =	ssyncset.done $0x0  }
0x6f: {  	s10 =	simm.s32 $0x190;
	s31 =	sadd.s32 $0x4B00, s6;
	[sflag:s20] =	ssyncadd.s32 $0xFFFF9C00  }
0x70: {  	[tilespmem:s31], [sflag:$0x2] =	stream.indirect.gather.add.f32 [hbm:s3], $0x40, s10, s14, $0xb8;
	[tilespmem:$0x11C60] =	vst v63  }
0x71: {  	s7 =	simm.s32 $0x1F8;
	s26 =	sadd.s32 $0x6500, s6  }
0x72: {  	[tilespmem:s26], [sflag:$0x2] =	stream.indirect.gather.add.f32 [hbm:s3], $0x40, s7, s17, $0xb8;
	[tilespmem:$0x11C60] =	vst v63  }
0x73: {  	s4 =	sxor.u32 $0x1, s4;
	s11 =	simm.s32 $0x258;
	s9 =	sadd.s32 $0x7D00, s6  }
0x74: {  	[tilespmem:s9], [sflag:$0x2] =	stream.indirect.gather.add.f32 [hbm:s3], $0x40, s11, s14, $0xb8;
	[tilespmem:$0x11C60] =	vst v63  }
0x75: {  	s4 =	smul.u32 $0x19000, s4;
	s13 =	simm.s32 $0x2C0;
	s6 =	sadd.s32 $0x9700, s6  }
0x76: {  	[tilespmem:s6], [sflag:$0x2] =	stream.indirect.gather.add.f32 [hbm:s3], $0x40, s13, s17, $0xb8;
	[tilespmem:$0x11C60] =	vst v63  }
0x77: {  	_ =	swait.ge [sflag:s22], $0x6400  }
0x78: {  	s4 =	sshrl.u32 s4, $0x2;
	s19 =	simm.s32 $0x2;
	[sflag:s22] =	ssyncset.done $0x0  }
0x79: {  	s21 =	sadd.s32 $0x4B00, s4;
	s25 =	simm.s32 $0x3520;
	[sflag:s22] =	ssyncadd.s32 $0xFFFF9C00  }
0x7a: {  	[tilespmem:s21], [sflag:$0x1] =	stream.indirect.gather [spmem:s1], $0x40, s25, s14, $0xb8;
	[tilespmem:$0x11C60] =	vst v63  }
0x7b: {  	s26 =	sadd.s32 $0x6500, s4;
	s7 =	simm.s32 $0x3588;
	s13 =	sand.u32 $0x1, s19  }
0x7c: {  	[tilespmem:s26], [sflag:$0x1] =	stream.indirect.gather [spmem:s1], $0x40, s7, s17, $0xb8;
	[tilespmem:$0x11C60] =	vst v63  }
0x7d: {  	s11 =	sadd.s32 $0x7D00, s4;
	s19 =	simm.s32 $0x35E8;
	s9 =	sxor.u32 $0x1, s13  }
0x7e: {  	[tilespmem:s11], [sflag:$0x1] =	stream.indirect.gather [spmem:s1], $0x40, s19, s14, $0xb8;
	[tilespmem:$0x11C60] =	vst v63  }
0x7f: {  	s4 =	sadd.s32 $0x9700, s4;
	s21 =	smul.u32 $0x19000, s9;
	s26 =	simm.s32 $0x3650  }
0x80: {  	[tilespmem:s4], [sflag:$0x1] =	stream.indirect.gather [spmem:s1], $0x40, s26, s17, $0xb8;
	[tilespmem:$0x11C60] =	vst v63  }
0x81: {  	s10 =	smov.u32 s5;
	s6 =	simm.s32 $0x640;
	_ =	swait.ge [sflag:s18], $0x6400  }
0x82: {  	s25 =	simm.s32 $0xC80;
	s29 =	sshrl.u32 s21, $0x2;
	[sflag:s18] =	ssyncset.done $0x0  }
0x83: {  	s4 =	simm.s32 $0x3;
	s26 =	sadd.s32 $0xC80, s5;
	[sflag:s18] =	ssyncadd.s32 $0xFFFF9C00  }
.LBB2_4:
0x84: {  	[hbm4b:s10+s2] =	stream.linear.scatter [tilespmem:s31], [sflag:$0x3], $0x6400, $0x38;
	[tilespmem:$0x11C60] =	vst v63  }
0x85: {  	s7 =	smov.u32 s25;
	s10 =	smov.u32 s26  }
0x86: {  	s25 =	sadd.s32 $0x640, s25;
	s31 =	smul.u32 $0x19000, s13;
	s13 =	sand.u32 $0x1, s4  }
0x87: {  	s9 =	sxor.u32 $0x1, s13;
	p1 =	sne.s32 s25, $0x5780;
	_ =	swait.ge [sflag:s20], $0x6400  }
0x88: {  	s19 =	sshra.s32 s6, $0x2;
	s11 =	sshrl.u32 s31, $0x2;
	[sflag:s20] =	ssyncset.done $0x0  }
0x89: {  	s6 =	sadd.s32 $0x190, s19;
	s31 =	sadd.s32 $0x4B00, s11;
	[sflag:s20] =	ssyncadd.s32 $0xFFFF9C00  }
0x8a: {  	[tilespmem:s31], [sflag:$0x2] =	stream.indirect.gather.add.f32 [hbm:s3], $0x40, s6, s14, $0xb8;
	[tilespmem:$0x11C60] =	vst v63  }
0x8b: {  	s21 =	sadd.s32 $0x1F8, s19;
	s6 =	smul.u32 $0x19000, s9;
	s9 =	sadd.s32 $0x6500, s11  }
0x8c: {  	[tilespmem:s9], [sflag:$0x2] =	stream.indirect.gather.add.f32 [hbm:s3], $0x40, s21, s17, $0xb8;
	[tilespmem:$0x11C60] =	vst v63  }
0x8d: {  	s9 =	sshrl.u32 s6, $0x2;
	s6 =	sadd.s32 $0x7D00, s11;
	s21 =	sadd.s32 $0x258, s19  }
0x8e: {  	[tilespmem:s6], [sflag:$0x2] =	stream.indirect.gather.add.f32 [hbm:s3], $0x40, s21, s14, $0xb8;
	[tilespmem:$0x11C60] =	vst v63  }
0x8f: {  	s11 =	sadd.s32 $0x9700, s11;
	s21 =	sadd.s32 $0x2C0, s19;
	s6 =	smov.u32 s7  }
0x90: {  	[tilespmem:s11], [sflag:$0x2] =	stream.indirect.gather.add.f32 [hbm:s3], $0x40, s21, s17, $0xb8;
	[tilespmem:$0x11C60] =	vst v63  }
0x91: {  	_ =	swait.ge [sflag:s22], $0x6400  }
0x92: {  	[sflag:s22] =	ssyncset.done $0x0  }
0x93: {  	s7 =	sadd.s32 $0x4B00, s29;
	s11 =	sadd.s32 $0x3520, s19;
	[sflag:s22] =	ssyncadd.s32 $0xFFFF9C00  }
0x94: {  	[tilespmem:s7], [sflag:$0x1] =	stream.indirect.gather [spmem:s1], $0x40, s11, s14, $0xb8;
	[tilespmem:$0x11C60] =	vst v63  }
0x95: {  	s7 =	sadd.s32 $0x6500, s29;
	s11 =	sadd.s32 $0x3588, s19  }
0x96: {  	[tilespmem:s7], [sflag:$0x1] =	stream.indirect.gather [spmem:s1], $0x40, s11, s17, $0xb8;
	[tilespmem:$0x11C60] =	vst v63  }
0x97: {  	s7 =	sadd.s32 $0x7D00, s29;
	s11 =	sadd.s32 $0x35E8, s19  }
0x98: {  	[tilespmem:s7], [sflag:$0x1] =	stream.indirect.gather [spmem:s1], $0x40, s11, s14, $0xb8;
	[tilespmem:$0x11C60] =	vst v63  }
.Ltmp1:
0x99: {  	s7 =	sadd.s32 $0x9700, s29;
	s11 =	sadd.s32 $0x3650, s19;
	(pc) =	sbr.rel @p1 .LBB2_4-.Ltmp1, $4  }
0x9a: {  	[tilespmem:s7], [sflag:$0x1] =	stream.indirect.gather [spmem:s1], $0x40, s11, s17, $0xb8;
	[tilespmem:$0x11C60] =	vst v63  }
0x9b: {  	s29 =	smov.u32 s9;
	_ =	swait.ge [sflag:s18], $0x6400  }
0x9c: {  	[sflag:s18] =	ssyncset.done $0x0  }
0x9d: {  	s4 =	sadd.s32 $0x1, s4;
	s26 =	sadd.s32 $0xC80, s26;
	[sflag:s18] =	ssyncadd.s32 $0xFFFF9C00  }
0x9e: {  	[hbm4b:s10+s2] =	stream.linear.scatter [tilespmem:s31], [sflag:$0x3], $0x6400, $0x38;
	[tilespmem:$0x11C60] =	vst v63  }
0x9f: {  	s4 =	smul.u32 $0x19000, s13  }
0xa0: {  	_ =	swait.ge [sflag:s20], $0x6400  }
0xa1: {  	s6 =	sshra.s32 s6, $0x2;
	[sflag:s20] =	ssyncset.done $0x0;
	s4 =	sshrl.u32 s4, $0x2  }
0xa2: {  	s9 =	sadd.s32 $0x190, s6;
	[sflag:s20] =	ssyncadd.s32 $0xFFFF9C00;
	s7 =	sadd.s32 $0x4B00, s4  }
0xa3: {  	[tilespmem:s7], [sflag:$0x2] =	stream.indirect.gather.add.f32 [hbm:s3], $0x40, s9, s14, $0xb8;
	[tilespmem:$0x11C60] =	vst v63  }
0xa4: {  	s19 =	sadd.s32 $0x1F8, s6;
	s13 =	sadd.s32 $0x6500, s4  }
0xa5: {  	[tilespmem:s13], [sflag:$0x2] =	stream.indirect.gather.add.f32 [hbm:s3], $0x40, s19, s17, $0xb8;
	[tilespmem:$0x11C60] =	vst v63  }
0xa6: {  	s31 =	sadd.s32 $0x258, s6;
	s21 =	sadd.s32 $0x7D00, s4  }
0xa7: {  	[tilespmem:s21], [sflag:$0x2] =	stream.indirect.gather.add.f32 [hbm:s3], $0x40, s31, s14, $0xb8;
	[tilespmem:$0x11C60] =	vst v63  }
0xa8: {  	s11 =	sadd.s32 $0x2C0, s6;
	s4 =	sadd.s32 $0x9700, s4  }
0xa9: {  	[tilespmem:s4], [sflag:$0x2] =	stream.indirect.gather.add.f32 [hbm:s3], $0x40, s11, s17, $0xb8;
	[tilespmem:$0x11C60] =	vst v63  }
0xaa: {  	_ =	swait.ge [sflag:s22], $0x6400  }
0xab: {  	[sflag:s22] =	ssyncset.done $0x0  }
0xac: {  	s13 =	sadd.s32 $0x4B00, s29;
	s19 =	sadd.s32 $0x3520, s6;
	[sflag:s22] =	ssyncadd.s32 $0xFFFF9C00  }
0xad: {  	[tilespmem:s13], [sflag:$0x1] =	stream.indirect.gather [spmem:s1], $0x40, s19, s14, $0xb8;
	[tilespmem:$0x11C60] =	vst v63  }
0xae: {  	s21 =	sadd.s32 $0x6500, s29;
	s31 =	sadd.s32 $0x3588, s6  }
0xaf: {  	[tilespmem:s21], [sflag:$0x1] =	stream.indirect.gather [spmem:s1], $0x40, s31, s17, $0xb8;
	[tilespmem:$0x11C60] =	vst v63  }
0xb0: {  	s10 =	sadd.s32 $0x7D00, s29;
	s11 =	sadd.s32 $0x35E8, s6  }
0xb1: {  	[tilespmem:s10], [sflag:$0x1] =	stream.indirect.gather [spmem:s1], $0x40, s11, s14, $0xb8;
	[tilespmem:$0x11C60] =	vst v63  }
0xb2: {  	s6 =	sadd.s32 $0x3650, s6;
	s13 =	sadd.s32 $0x9700, s29  }
0xb3: {  	[tilespmem:s13], [sflag:$0x1] =	stream.indirect.gather [spmem:s1], $0x40, s6, s17, $0xb8;
	[tilespmem:$0x11C60] =	vst v63  }
0xb4: {  	_ =	swait.ge [sflag:s18], $0x6400  }
0xb5: {  	[sflag:s18] =	ssyncset.done $0x0  }
0xb6: {  	[sflag:s18] =	ssyncadd.s32 $0xFFFF9C00  }
0xb7: {  	[hbm4b:s26+s2] =	stream.linear.scatter [tilespmem:s7], [sflag:$0x3], $0x6400, $0x38;
	[tilespmem:$0x11C60] =	vst v63  }
0xb8: {  	_ =	swait.ge [sflag:s20], $0x6400  }
0xb9: {  	s19 =	sshra.s32 s25, $0x2;
	[sflag:s20] =	ssyncset.done $0x0  }
0xba: {  	s21 =	sadd.s32 $0x190, s19;
	[sflag:s20] =	ssyncadd.s32 $0xFFFF9C00  }
0xbb: {  	[tilespmem:s28], [sflag:$0x2] =	stream.indirect.gather.add.f32 [hbm:s3], $0x40, s21, s14, $0xb8;
	[tilespmem:$0x11C60] =	vst v63  }
0xbc: {  	s25 =	sadd.s32 $0x1F8, s19  }
0xbd: {  	[tilespmem:s30], [sflag:$0x2] =	stream.indirect.gather.add.f32 [hbm:s3], $0x40, s25, s17, $0xb8;
	[tilespmem:$0x11C60] =	vst v63  }
0xbe: {  	s26 =	sadd.s32 $0x258, s19  }
0xbf: {  	[tilespmem:s0], [sflag:$0x2] =	stream.indirect.gather.add.f32 [hbm:s3], $0x40, s26, s14, $0xb8;
	[tilespmem:$0x11C60] =	vst v63  }
0xc0: {  	s4 =	sadd.s32 $0x2C0, s19  }
0xc1: {  	[tilespmem:s15], [sflag:$0x2] =	stream.indirect.gather.add.f32 [hbm:s3], $0x40, s4, s17, $0xb8;
	[tilespmem:$0x11C60] =	vst v63  }
0xc2: {  	_ =	swait.ge [sflag:s22], $0x6400  }
0xc3: {  	[sflag:s22] =	ssyncset.done $0x0  }
0xc4: {  	[sflag:s22] =	ssyncadd.s32 $0xFFFF9C00  }
0xc5: {  	_ =	swait.ge [sflag:s18], $0x6400  }
0xc6: {  	[sflag:s18] =	ssyncset.done $0x0  }
0xc7: {  	s29 =	rddreg [dreg:$0x8];
	[sflag:s18] =	ssyncadd.s32 $0xFFFF9C00  }
0xc8: {  	[hbm4b:s29+s2] =	stream.linear.scatter [tilespmem:s28], [sflag:$0x3], $0x6400, $0x38;
	[tilespmem:$0x11C60] =	vst v63  }
0xc9: {  	_ =	swait.ge [sflag:s22], $0x6400  }
0xca: {  	s24 =	sadd.s32 $0x1, s24;
	s31 =	rddreg [dreg:$0x7]  }
0xcb: {  	p1 =	sne.s32 s24, s31  }
.Ltmp2:
0xcc: {  	_ = 	snop;
	(pc) =	sbr.rel @p1 .LBB2_1-.Ltmp2, $3  }
0xcd: {  	_ =	sdelay $0x1  }
0xce: {  	[sflag:s22] =	ssyncset.done $0x0  }
0xcf: {  	[sflag:s22] =	ssyncadd.s32 $0xFFFF9C00  }
0xd0: {  	_ =	sfence.sel $0x180000  }
0xd1: {  	[bflag:$0x0] =	sbarrier.arrive $0xFFFF  }
0xd2: {  	_ =	strace $0x90000047  }
0xd3: {  	[bflag:$0x2] =	sbarrier.arrive $0xFFFF  }
0xd4: {  	s0 =	rddreg [dreg:$0x3]  }
0xd5: {  	s0 =	sadd.s32 @!p0 $0x100000, s0  }
0xd6: {  	[sflag:s0] =	ssyncadd.tile.s32 @!p0 $0x1;
	_ =	shalt  }
.Lfunc_end2:
_tile_overlayer_lowered:
.L_overlay_start_2:
0xd7: {  	(tag) =	ssettag $0x2  }
0xd8: {  	s0 =	rddreg [dreg:$0x0];
	s2 =	stileid.u32  }
0xd9: {  	s1 =	rddreg [dreg:$0x1];
	p0 =	sne.s32 s2, $0x0  }
0xda: {  	s3 =	rddreg [dreg:$0x2];
	[bflag:$0x3] =	sbarrier.arrive $0xFFFF;
	s2 =	simm.s32 @!p0 $0x1C04  }
0xdb: {  	[timem:s3], [sflag:s2] =	dma.local @!p0 [hbm:s0], s1  }
0xdc: {  	s0 =	simm.s32 @!p0 $0x4  }
0xdd: {  	_ =	swait.ge @!p0 [sflag:s0], s1  }
0xde: {  	s1 =	ssub.s32 @!p0 $0x0, s1;
	[sflag:s0] =	ssyncset.done @!p0 $0x0  }
0xdf: {  	[sflag:s0] =	ssyncadd.s32 @!p0 s1  }
0xe0: {  	[bflag:$0x3] =	sbarrier.arrive $0xFFFF  }
0xe1: {  	_ =	shalt  }

</sc_bundles>
